<compile_context>
chip_gen: v7x
topology: tpu7x:2x2x1
jax: 0.10.2.dev20260603
libtpu: 0.0.44.dev20260713+nightly
codegen_flags: <defaults>
</compile_context>

<pallas_src>
import functools

import jax
import jax.numpy as jnp
from jax import lax
from jax.experimental import pallas as pl
from jax.experimental.pallas import tpu as pltpu
from jax.experimental.pallas import tpu_sc as plsc

_NC = 2
_NS = 16
_NW = _NC * _NS
_CHUNK = 128


def _sc_segsum(h, src3, dst3, zrows, n_pad):
    N, D = h.shape
    nch = src3.shape[1]
    rows_per_tile = n_pad // _NS
    mesh = plsc.VectorSubcoreMesh(core_axis_name="c", subcore_axis_name="s")

    @functools.partial(
        pl.kernel,
        out_type=jax.ShapeDtypeStruct((_NC, n_pad, D), jnp.float32),
        mesh=mesh,
        scratch_types=[
            pltpu.VMEM((nch, _CHUNK), jnp.int32),
            pltpu.VMEM((nch, _CHUNK), jnp.int32),
            pltpu.VMEM((_CHUNK, D), jnp.float32),
            pltpu.VMEM_SHARED((n_pad, D), jnp.float32),
            pltpu.SemaphoreType.DMA,
        ],
    )
    def seg_kernel(h_hbm, src_hbm, dst_hbm, z_hbm, out_hbm,
                   src_v, dst_v, buf, acc, sem):
        cid = lax.axis_index("c")
        sid = lax.axis_index("s")
        wid = cid * _NS + sid
        row0 = sid * rows_per_tile
        pltpu.sync_copy(z_hbm, acc.at[pl.ds(row0, rows_per_tile)])
        pltpu.sync_copy(src_hbm.at[wid], src_v)
        pltpu.sync_copy(dst_hbm.at[wid], dst_v)
        plsc.subcore_barrier()

        def body(j, carry):
            pltpu.async_copy(h_hbm.at[src_v.at[j]], buf, sem).wait()
            pltpu.sync_copy(buf, acc.at[dst_v.at[j]], add=True)
            return carry

        lax.fori_loop(0, nch, body, 0)
        plsc.subcore_barrier()
        pltpu.sync_copy(acc.at[pl.ds(row0, rows_per_tile)],
                        out_hbm.at[cid, pl.ds(row0, rows_per_tile)])

    return seg_kernel(h, src3, dst3, zrows)


def _tc_mlp_stats(x, parts, W1, b1, W2, b2, g, be, blk=1000):
    N, D = x.shape
    hmid = W1.shape[1]
    h2 = W2.shape[1]
    nblk = N // blk

    def body(x_ref, p0_ref, p1_ref, w1_ref, b1_ref, w2_ref, b2_ref,
             g_ref, be_ref, y_ref, aff_ref, s_ref, q_ref):
        i = pl.program_id(0)
        h0 = x_ref[...] + p0_ref[...] + p1_ref[...]
        a = jnp.maximum(
            jnp.dot(h0.astype(jnp.bfloat16), w1_ref[...].astype(jnp.bfloat16),
                    preferred_element_type=jnp.float32) + b1_ref[...], 0.0)
        y = (jnp.dot(a.astype(jnp.bfloat16), w2_ref[...].astype(jnp.bfloat16),
                     preferred_element_type=jnp.float32) + b2_ref[...])
        y_ref[...] = y

        @pl.when(i == 0)
        def _():
            s_ref[...] = jnp.zeros_like(s_ref)
            q_ref[...] = jnp.zeros_like(q_ref)

        s_ref[...] += jnp.sum(y, axis=0, keepdims=True)
        q_ref[...] += jnp.sum(y * y, axis=0, keepdims=True)

        @pl.when(i == nblk - 1)
        def _():
            m = s_ref[...] / N
            v = q_ref[...] / N - m * m
            scale = g_ref[...] / jnp.sqrt(v + 1e-5)
            aff_ref[0:1, :] = scale
            aff_ref[1:2, :] = be_ref[...] - m * scale

    return pl.pallas_call(
        body,
        grid=(nblk,),
        in_specs=[
            pl.BlockSpec((blk, D), lambda i: (i, 0)),
            pl.BlockSpec((blk, D), lambda i: (i, 0)),
            pl.BlockSpec((blk, D), lambda i: (i, 0)),
            pl.BlockSpec((D, hmid), lambda i: (0, 0)),
            pl.BlockSpec((1, hmid), lambda i: (0, 0)),
            pl.BlockSpec((hmid, h2), lambda i: (0, 0)),
            pl.BlockSpec((1, h2), lambda i: (0, 0)),
            pl.BlockSpec((1, h2), lambda i: (0, 0)),
            pl.BlockSpec((1, h2), lambda i: (0, 0)),
        ],
        out_specs=[
            pl.BlockSpec((blk, h2), lambda i: (i, 0)),
            pl.BlockSpec((2, h2), lambda i: (0, 0)),
        ],
        out_shape=[
            jax.ShapeDtypeStruct((N, h2), jnp.float32),
            jax.ShapeDtypeStruct((2, h2), jnp.float32),
        ],
        scratch_shapes=[
            pltpu.VMEM((1, h2), jnp.float32),
            pltpu.VMEM((1, h2), jnp.float32),
        ],
    )(x, parts[0], parts[1], W1, b1.reshape(1, -1), W2, b2.reshape(1, -1),
      g.reshape(1, -1), be.reshape(1, -1))


def _tc_bn_pool(y, aff, batch3, num_graphs, blk=1000):
    N, w = y.shape
    nblk = N // blk

    def body(y_ref, aff_ref, b_ref, h_ref, pool_ref, acc_ref):
        i = pl.program_id(0)
        h = jnp.maximum(y_ref[...] * aff_ref[0:1, :] + aff_ref[1:2, :], 0.0)
        h_ref[...] = h
        bt = b_ref[0]
        onehot = (lax.broadcasted_iota(jnp.int32, (num_graphs, blk), 0)
                  == bt).astype(jnp.float32)

        @pl.when(i == 0)
        def _():
            acc_ref[...] = jnp.zeros_like(acc_ref)

        acc_ref[...] += jnp.dot(onehot, h,
                                preferred_element_type=jnp.float32, precision=lax.Precision.HIGHEST)

        @pl.when(i == nblk - 1)
        def _():
            pool_ref[...] = acc_ref[...]

    return pl.pallas_call(
        body,
        grid=(nblk,),
        in_specs=[
            pl.BlockSpec((blk, w), lambda i: (i, 0)),
            pl.BlockSpec((2, w), lambda i: (0, 0)),
            pl.BlockSpec((1, 1, blk), lambda i: (i, 0, 0)),
        ],
        out_specs=[
            pl.BlockSpec((blk, w), lambda i: (i, 0)),
            pl.BlockSpec((num_graphs, w), lambda i: (0, 0)),
        ],
        out_shape=[
            jax.ShapeDtypeStruct((N, w), jnp.float32),
            jax.ShapeDtypeStruct((num_graphs, w), jnp.float32),
        ],
        scratch_shapes=[pltpu.VMEM((num_graphs, w), jnp.float32)],
    )(y, aff, batch3)


def _tc_readout(hcat, oW1, ob1, og, obe, oW3, ob3, cblk=128):
    gn, rd = hcat.shape
    rh = oW1.shape[1]
    ncls = oW3.shape[1]
    nblk = rh // cblk

    def body(hc_ref, w1_ref, b1_ref, g_ref, be_ref, w3_ref, b3_ref,
             out_ref, acc_ref):
        i = pl.program_id(0)
        t = (jnp.dot(hc_ref[...].astype(jnp.bfloat16),
                     w1_ref[...].astype(jnp.bfloat16),
                     preferred_element_type=jnp.float32) + b1_ref[...])
        m = jnp.mean(t, axis=0, keepdims=True)
        tc = t - m
        v = jnp.mean(tc * tc, axis=0, keepdims=True)
        h = jnp.maximum(
            g_ref[...] * (t - m) / jnp.sqrt(v + 1e-5) + be_ref[...], 0.0)

        @pl.when(i == 0)
        def _():
            acc_ref[...] = jnp.zeros_like(acc_ref)

        acc_ref[...] += jnp.dot(h.astype(jnp.bfloat16),
                                w3_ref[...].astype(jnp.bfloat16),
                                preferred_element_type=jnp.float32)

        @pl.when(i == nblk - 1)
        def _():
            out_ref[...] = acc_ref[...] + b3_ref[...]

    return pl.pallas_call(
        body,
        grid=(nblk,),
        in_specs=[
            pl.BlockSpec((gn, rd), lambda i: (0, 0)),
            pl.BlockSpec((rd, cblk), lambda i: (0, i)),
            pl.BlockSpec((1, cblk), lambda i: (0, i)),
            pl.BlockSpec((1, cblk), lambda i: (0, i)),
            pl.BlockSpec((1, cblk), lambda i: (0, i)),
            pl.BlockSpec((cblk, ncls), lambda i: (i, 0)),
            pl.BlockSpec((1, ncls), lambda i: (0, 0)),
        ],
        out_specs=pl.BlockSpec((gn, ncls), lambda i: (0, 0)),
        out_shape=jax.ShapeDtypeStruct((gn, ncls), jnp.float32),
        scratch_shapes=[pltpu.VMEM((gn, ncls), jnp.float32)],
    )(hcat, oW1, ob1.reshape(1, -1), og.reshape(1, -1), obe.reshape(1, -1),
      oW3, ob3.reshape(1, -1))


def kernel(x, edge_index, batch, fingerprint, c1W1, c1b1, c1W2, c1b2, g1,
           be1, c2W1, c2b1, c2W2, c2b2, g2, be2, c3W1, c3b1, c3W2, c3b2,
           g3, be3, oW1, ob1, og, obe, oW3, ob3):
    N, D = x.shape
    E = edge_index.shape[1]
    G = fingerprint.shape[0]

    n_pad = ((N + _NS * 64 - 1) // (_NS * 64)) * (_NS * 64)
    per_w = -(-E // (_NW * _CHUNK)) * _CHUNK
    e_pad = per_w * _NW
    nch = per_w // _CHUNK

    src = edge_index[0]
    dst = edge_index[1]
    pad = e_pad - E
    src3 = jnp.concatenate(
        [src, jnp.zeros((pad,), jnp.int32)]).reshape(_NW, nch, _CHUNK)
    dst3 = jnp.concatenate(
        [dst, jnp.full((pad,), N, jnp.int32)]).reshape(_NW, nch, _CHUNK)
    zrows = jnp.zeros((n_pad // _NS, D), jnp.float32)
    batch3 = batch.reshape(10, 1, N // 10)

    agg1 = _sc_segsum(x, src3, dst3, zrows, n_pad)
    y1, aff1 = _tc_mlp_stats(x, agg1, c1W1, c1b1, c1W2, c1b2, g1, be1)
    h1, p1 = _tc_bn_pool(y1, aff1, batch3, G)

    agg2 = _sc_segsum(h1, src3, dst3, zrows, n_pad)
    y2, aff2 = _tc_mlp_stats(h1, agg2, c2W1, c2b1, c2W2, c2b2, g2, be2)
    h2, p2 = _tc_bn_pool(y2, aff2, batch3, G)

    agg3 = _sc_segsum(h2, src3, dst3, zrows, n_pad)
    y3, aff3 = _tc_mlp_stats(h2, agg3, c3W1, c3b1, c3W2, c3b2, g3, be3)
    _h3, p3 = _tc_bn_pool(y3, aff3, batch3, G)

    hcat = jnp.concatenate([p1, p2, p3, fingerprint], axis=1)
    return _tc_readout(hcat, oW1, ob1, og, obe, oW3, ob3)

# --- scband reference (transcript-rebuilt; emitter-appended) ---
"""Pipeline reference for scband-gin-20804821582443 (READ-ONLY COPY).

The authoritative reference and input builder live on the scoring server;
editing this copy changes nothing except your own understanding.
"""

import jax, jax.numpy as jnp
import numpy as np

N = 10000
E = 320000
D = 128
H = 128
HL = 512
G = 64
NC = 10
FP = 6144

def setup_inputs(seed: int = 0) -> dict:
    key = jax.random.key(seed)
    ks = jax.random.split(key, 16)
    inp = {}
    inp["x"] = jax.random.normal(ks[0], (N, D), dtype=jnp.float32)
    inp["edge_index"] = jax.random.randint(ks[1], (2, E), 0, N, dtype=jnp.int32)
    inp["batch"] = jnp.sort(jax.random.randint(ks[2], (N,), 0, G, dtype=jnp.int32))
    inp["fingerprint"] = jax.random.normal(ks[3], (G, FP), dtype=jnp.float32)
    def lin(k, i, o):
        return jax.random.normal(k, (i, o), dtype=jnp.float32) * (1.0 / np.sqrt(i))
    inp["c1W1"] = lin(ks[4], D, H); inp["c1b1"] = jnp.zeros((H,), jnp.float32)
    inp["c1W2"] = lin(ks[5], H, H); inp["c1b2"] = jnp.zeros((H,), jnp.float32)
    inp["g1"] = jnp.ones((H,), jnp.float32); inp["be1"] = jnp.zeros((H,), jnp.float32)
    inp["c2W1"] = lin(ks[6], H, H); inp["c2b1"] = jnp.zeros((H,), jnp.float32)
    inp["c2W2"] = lin(ks[7], H, H); inp["c2b2"] = jnp.zeros((H,), jnp.float32)
    inp["g2"] = jnp.ones((H,), jnp.float32); inp["be2"] = jnp.zeros((H,), jnp.float32)
    inp["c3W1"] = lin(ks[8], H, HL); inp["c3b1"] = jnp.zeros((HL,), jnp.float32)
    inp["c3W2"] = lin(ks[9], HL, HL); inp["c3b2"] = jnp.zeros((HL,), jnp.float32)
    inp["g3"] = jnp.ones((HL,), jnp.float32); inp["be3"] = jnp.zeros((HL,), jnp.float32)
    RD = H + H + HL + FP
    inp["oW1"] = lin(ks[10], RD, RD // 2); inp["ob1"] = jnp.zeros((RD // 2,), jnp.float32)
    inp["og"] = jnp.ones((RD // 2,), jnp.float32); inp["obe"] = jnp.zeros((RD // 2,), jnp.float32)
    inp["oW3"] = lin(ks[11], RD // 2, NC); inp["ob3"] = jnp.zeros((NC,), jnp.float32)
    return inp

def _bn(h, g, b):
    m = jnp.mean(h, axis=0)
    v = jnp.var(h, axis=0)
    return g * (h - m) / jnp.sqrt(v + 1e-5) + b

def _gin(x, src, dst, W1, b1, W2, b2):
    # GINConv with eps=0: MLP((1+eps)*x + sum_{j->i} x_j)
    agg = jax.ops.segment_sum(x[src], dst, num_segments=N)
    h = x + agg
    h = jnp.maximum(h @ W1 + b1, 0.0)
    return h @ W2 + b2

def reference(x, edge_index, batch, fingerprint, c1W1, c1b1, c1W2, c1b2, g1, be1, c2W1, c2b1, c2W2, c2b2, g2, be2, c3W1, c3b1, c3W2, c3b2, g3, be3, oW1, ob1, og, obe, oW3, ob3):
    src = edge_index[0]
    dst = edge_index[1]
    h1 = jnp.maximum(_bn(_gin(x, src, dst, c1W1, c1b1, c1W2, c1b2), g1, be1), 0.0)
    # dropout p=0.0 -> identity
    h2 = jnp.maximum(_bn(_gin(h1, src, dst, c2W1, c2b1, c2W2, c2b2), g2, be2), 0.0)
    h3 = jnp.maximum(_bn(_gin(h2, src, dst, c3W1, c3b1, c3W2, c3b2), g3, be3), 0.0)
    p1 = jax.ops.segment_sum(h1, batch, num_segments=G)
    p2 = jax.ops.segment_sum(h2, batch, num_segments=G)
    p3 = jax.ops.segment_sum(h3, batch, num_segments=G)
    h = jnp.concatenate([p1, p2, p3, fingerprint], axis=1)
    h = jnp.maximum(_bn(h @ oW1 + ob1, og, obe), 0.0)
    return h @ oW3 + ob3

if __name__ == "__main__":
    import jax
    _d = setup_inputs()
    print(jax.jit(kernel)(*tuple(_d.values())))

</pallas_src>

<mosaic_0001>
#map = affine_map<(d0, d1) -> (0, 0)>
#map1 = affine_map<(d0, d1) -> (0, 0, 0)>
module attributes {stable_mosaic.version = 14 : i64} {
  func.func @seg_kernel(%arg0: i32, %arg1: i32, %arg2: memref<10000x128xf32, #tpu.memory_space<hbm>>, %arg3: memref<32x79x128xi32, #tpu.memory_space<hbm>>, %arg4: memref<32x79x128xi32, #tpu.memory_space<hbm>>, %arg5: memref<640x128xf32, #tpu.memory_space<hbm>>, %arg6: memref<2x10240x128xf32, #tpu.memory_space<hbm>>, %arg7: memref<79x128xi32, #tpu.memory_space<vmem>>, %arg8: memref<79x128xi32, #tpu.memory_space<vmem>>, %arg9: memref<128x128xf32, #tpu.memory_space<vmem>>, %arg10: memref<10240x128xf32, #tpu.memory_space<vmem_shared>>, %arg11: memref<!tpu.dma_semaphore, #tpu.memory_space<semaphore_mem>>) attributes {dimension_semantics = [#tpu.dimension_semantics<core_parallel>, #tpu.dimension_semantics<subcore_parallel>], iteration_bounds = array<i64: 2, 16>, scalar_prefetch = 0 : i64, scratch_operands = 5 : i64, tpu.core_type = #tpu.core_type<sc_vector_subcore>, window_params = [{transform_indices = #map}, {transform_indices = #map1}, {transform_indices = #map1}, {transform_indices = #map}, {transform_indices = #map1}]} {
    %mul3A = arith.constant 16 : i32
    %mul3A_0 = arith.muli %arg0, %mul3A : i32
    %add3A = arith.addi %mul3A_0, %arg1 : i32
    %mul3A_1 = arith.constant 640 : i32
    %mul3A_2 = arith.muli %arg1, %mul3A_1 : i32
    "tpu.region"() ({
      %run_scoped3A = tpu.sem_alloc : memref<!tpu.dma_semaphore, #tpu.memory_space<semaphore_mem>>
      %dma_start3A = arith.constant 0 : i32
      %dma_start3A_9 = tpu.memref_slice %arg10[%mul3A_2, %dma_start3A] : memref<10240x128xf32, #tpu.memory_space<vmem_shared>> -> memref<640x128xf32, #tpu.memory_space<vmem_shared>>
      tpu.enqueue_dma source(%arg5 : memref<640x128xf32, #tpu.memory_space<hbm>>) target(%dma_start3A_9 : memref<640x128xf32, #tpu.memory_space<vmem_shared>>) target_semaphore(%run_scoped3A : memref<!tpu.dma_semaphore, #tpu.memory_space<semaphore_mem>>)
      %dma_wait3A = arith.constant 0 : i32
      %dma_wait3A_10 = tpu.memref_slice %arg10[%mul3A_2, %dma_wait3A] : memref<10240x128xf32, #tpu.memory_space<vmem_shared>> -> memref<640x128xf32, #tpu.memory_space<vmem_shared>>
      tpu.wait_dma2 semaphore(%run_scoped3A : memref<!tpu.dma_semaphore, #tpu.memory_space<semaphore_mem>>) src(%arg5 : memref<640x128xf32, #tpu.memory_space<hbm>>) dst(%dma_wait3A_10 : memref<640x128xf32, #tpu.memory_space<vmem_shared>>)
      tpu.yield
    }) : () -> ()
    "tpu.region"() ({
      %run_scoped3A = tpu.sem_alloc : memref<!tpu.dma_semaphore, #tpu.memory_space<semaphore_mem>>
      %dma_start3A = arith.constant 0 : i32
      %dma_start3A_9 = arith.constant 0 : i32
      %dma_start3A_10 = tpu.memref_slice %arg3[%add3A, %dma_start3A, %dma_start3A_9] : memref<32x79x128xi32, #tpu.memory_space<hbm>> -> memref<1x79x128xi32, #tpu.memory_space<hbm>>
      %dma_start3A_11 = tpu.memref_squeeze %dma_start3A_10 : memref<1x79x128xi32, #tpu.memory_space<hbm>> -> memref<79x128xi32, #tpu.memory_space<hbm>>
      %dma_start3A_12 = arith.constant 0 : i32
      %dma_start3A_13 = arith.constant 0 : i32
      %dma_start3A_14 = tpu.memref_slice %arg3[%add3A, %dma_start3A_12, %dma_start3A_13] : memref<32x79x128xi32, #tpu.memory_space<hbm>> -> memref<1x79x128xi32, #tpu.memory_space<hbm>>
      %dma_start3A_15 = tpu.memref_squeeze %dma_start3A_14 : memref<1x79x128xi32, #tpu.memory_space<hbm>> -> memref<79x128xi32, #tpu.memory_space<hbm>>
      tpu.enqueue_dma source(%dma_start3A_15 : memref<79x128xi32, #tpu.memory_space<hbm>>) target(%arg7 : memref<79x128xi32, #tpu.memory_space<vmem>>) target_semaphore(%run_scoped3A : memref<!tpu.dma_semaphore, #tpu.memory_space<semaphore_mem>>)
      %dma_wait3A = arith.constant 0 : i32
      %dma_wait3A_16 = arith.constant 0 : i32
      %dma_wait3A_17 = tpu.memref_slice %arg3[%add3A, %dma_wait3A, %dma_wait3A_16] : memref<32x79x128xi32, #tpu.memory_space<hbm>> -> memref<1x79x128xi32, #tpu.memory_space<hbm>>
      %dma_wait3A_18 = tpu.memref_squeeze %dma_wait3A_17 : memref<1x79x128xi32, #tpu.memory_space<hbm>> -> memref<79x128xi32, #tpu.memory_space<hbm>>
      %dma_wait3A_19 = arith.constant 0 : i32
      %dma_wait3A_20 = arith.constant 0 : i32
      %dma_wait3A_21 = tpu.memref_slice %arg3[%add3A, %dma_wait3A_19, %dma_wait3A_20] : memref<32x79x128xi32, #tpu.memory_space<hbm>> -> memref<1x79x128xi32, #tpu.memory_space<hbm>>
      %dma_wait3A_22 = tpu.memref_squeeze %dma_wait3A_21 : memref<1x79x128xi32, #tpu.memory_space<hbm>> -> memref<79x128xi32, #tpu.memory_space<hbm>>
      tpu.wait_dma2 semaphore(%run_scoped3A : memref<!tpu.dma_semaphore, #tpu.memory_space<semaphore_mem>>) src(%dma_wait3A_22 : memref<79x128xi32, #tpu.memory_space<hbm>>) dst(%arg7 : memref<79x128xi32, #tpu.memory_space<vmem>>)
      tpu.yield
    }) : () -> ()
    "tpu.region"() ({
      %run_scoped3A = tpu.sem_alloc : memref<!tpu.dma_semaphore, #tpu.memory_space<semaphore_mem>>
      %dma_start3A = arith.constant 0 : i32
      %dma_start3A_9 = arith.constant 0 : i32
      %dma_start3A_10 = tpu.memref_slice %arg4[%add3A, %dma_start3A, %dma_start3A_9] : memref<32x79x128xi32, #tpu.memory_space<hbm>> -> memref<1x79x128xi32, #tpu.memory_space<hbm>>
      %dma_start3A_11 = tpu.memref_squeeze %dma_start3A_10 : memref<1x79x128xi32, #tpu.memory_space<hbm>> -> memref<79x128xi32, #tpu.memory_space<hbm>>
      %dma_start3A_12 = arith.constant 0 : i32
      %dma_start3A_13 = arith.constant 0 : i32
      %dma_start3A_14 = tpu.memref_slice %arg4[%add3A, %dma_start3A_12, %dma_start3A_13] : memref<32x79x128xi32, #tpu.memory_space<hbm>> -> memref<1x79x128xi32, #tpu.memory_space<hbm>>
      %dma_start3A_15 = tpu.memref_squeeze %dma_start3A_14 : memref<1x79x128xi32, #tpu.memory_space<hbm>> -> memref<79x128xi32, #tpu.memory_space<hbm>>
      tpu.enqueue_dma source(%dma_start3A_15 : memref<79x128xi32, #tpu.memory_space<hbm>>) target(%arg8 : memref<79x128xi32, #tpu.memory_space<vmem>>) target_semaphore(%run_scoped3A : memref<!tpu.dma_semaphore, #tpu.memory_space<semaphore_mem>>)
      %dma_wait3A = arith.constant 0 : i32
      %dma_wait3A_16 = arith.constant 0 : i32
      %dma_wait3A_17 = tpu.memref_slice %arg4[%add3A, %dma_wait3A, %dma_wait3A_16] : memref<32x79x128xi32, #tpu.memory_space<hbm>> -> memref<1x79x128xi32, #tpu.memory_space<hbm>>
      %dma_wait3A_18 = tpu.memref_squeeze %dma_wait3A_17 : memref<1x79x128xi32, #tpu.memory_space<hbm>> -> memref<79x128xi32, #tpu.memory_space<hbm>>
      %dma_wait3A_19 = arith.constant 0 : i32
      %dma_wait3A_20 = arith.constant 0 : i32
      %dma_wait3A_21 = tpu.memref_slice %arg4[%add3A, %dma_wait3A_19, %dma_wait3A_20] : memref<32x79x128xi32, #tpu.memory_space<hbm>> -> memref<1x79x128xi32, #tpu.memory_space<hbm>>
      %dma_wait3A_22 = tpu.memref_squeeze %dma_wait3A_21 : memref<1x79x128xi32, #tpu.memory_space<hbm>> -> memref<79x128xi32, #tpu.memory_space<hbm>>
      tpu.wait_dma2 semaphore(%run_scoped3A : memref<!tpu.dma_semaphore, #tpu.memory_space<semaphore_mem>>) src(%dma_wait3A_22 : memref<79x128xi32, #tpu.memory_space<hbm>>) dst(%arg8 : memref<79x128xi32, #tpu.memory_space<vmem>>)
      tpu.yield
    }) : () -> ()
    %barrier3A = arith.constant 0 : index
    tpu.barrier barrier_id(%barrier3A)
    %scan3A = arith.constant 0 : i32
    %scan3A_3 = arith.constant 0 : i32
    %scan3A_4 = arith.constant 79 : i32
    %scan3A_5 = arith.addi %scan3A_3, %scan3A_4 : i32
    %scan3A_6 = arith.constant 1 : i32
    scf.for %scan3A_9 = %scan3A_3 to %scan3A_5 step %scan3A_6  : i32 {
      %dma_start3A = arith.constant 0 : i32
      %dma_start3A_10 = tpu.memref_slice %arg7[%scan3A_9, %dma_start3A] : memref<79x128xi32, #tpu.memory_space<vmem>> -> memref<1x128xi32, #tpu.memory_space<vmem>>
      %dma_start3A_11 = tpu.memref_squeeze %dma_start3A_10 : memref<1x128xi32, #tpu.memory_space<vmem>> -> memref<128xi32, #tpu.memory_space<vmem>>
      %dma_start3A_12 = arith.constant 0 : i32
      %dma_start3A_13 = arith.constant 0 : i32
      %dma_start3A_14 = tpu.memref_slice %arg2[%dma_start3A_12, %dma_start3A_13] : memref<10000x128xf32, #tpu.memory_space<hbm>> -> memref<10000x128xf32, #tpu.memory_space<hbm>>
      tpu.enqueue_indirect_dma source(%dma_start3A_14 : memref<10000x128xf32, #tpu.memory_space<hbm>>) target(%arg9 : memref<128x128xf32, #tpu.memory_space<vmem>>) offsets(%dma_start3A_11 : memref<128xi32, #tpu.memory_space<vmem>>) semaphore(%arg11 : memref<!tpu.dma_semaphore, #tpu.memory_space<semaphore_mem>>)
      %dma_wait3A = arith.constant 0 : i32
      %dma_wait3A_15 = tpu.memref_slice %arg7[%scan3A_9, %dma_wait3A] : memref<79x128xi32, #tpu.memory_space<vmem>> -> memref<1x128xi32, #tpu.memory_space<vmem>>
      %dma_wait3A_16 = tpu.memref_squeeze %dma_wait3A_15 : memref<1x128xi32, #tpu.memory_space<vmem>> -> memref<128xi32, #tpu.memory_space<vmem>>
      %dma_wait3A_17 = arith.constant 0 : i32
      %dma_wait3A_18 = arith.constant 0 : i32
      %dma_wait3A_19 = tpu.memref_slice %arg2[%dma_wait3A_17, %dma_wait3A_18] : memref<10000x128xf32, #tpu.memory_space<hbm>> -> memref<10000x128xf32, #tpu.memory_space<hbm>>
      tpu.wait_indirect_dma semaphore(%arg11 : memref<!tpu.dma_semaphore, #tpu.memory_space<semaphore_mem>>) src(%dma_wait3A_19 : memref<10000x128xf32, #tpu.memory_space<hbm>>) dst(%arg9 : memref<128x128xf32, #tpu.memory_space<vmem>>)
      "tpu.region"() ({
        %run_scoped3A = tpu.sem_alloc : memref<!tpu.dma_semaphore, #tpu.memory_space<semaphore_mem>>
        %dma_start3A_20 = arith.constant 0 : i32
        %dma_start3A_21 = tpu.memref_slice %arg8[%scan3A_9, %dma_start3A_20] : memref<79x128xi32, #tpu.memory_space<vmem>> -> memref<1x128xi32, #tpu.memory_space<vmem>>
        %dma_start3A_22 = tpu.memref_squeeze %dma_start3A_21 : memref<1x128xi32, #tpu.memory_space<vmem>> -> memref<128xi32, #tpu.memory_space<vmem>>
        %dma_start3A_23 = arith.constant 0 : i32
        %dma_start3A_24 = arith.constant 0 : i32
        %dma_start3A_25 = tpu.memref_slice %arg10[%dma_start3A_23, %dma_start3A_24] : memref<10240x128xf32, #tpu.memory_space<vmem_shared>> -> memref<10240x128xf32, #tpu.memory_space<vmem_shared>>
        tpu.enqueue_indirect_dma source(%arg9 : memref<128x128xf32, #tpu.memory_space<vmem>>) target(%dma_start3A_25 : memref<10240x128xf32, #tpu.memory_space<vmem_shared>>) offsets(%dma_start3A_22 : memref<128xi32, #tpu.memory_space<vmem>>) semaphore(%run_scoped3A : memref<!tpu.dma_semaphore, #tpu.memory_space<semaphore_mem>>) {add = true}
        %dma_wait3A_26 = arith.constant 0 : i32
        %dma_wait3A_27 = tpu.memref_slice %arg8[%scan3A_9, %dma_wait3A_26] : memref<79x128xi32, #tpu.memory_space<vmem>> -> memref<1x128xi32, #tpu.memory_space<vmem>>
        %dma_wait3A_28 = tpu.memref_squeeze %dma_wait3A_27 : memref<1x128xi32, #tpu.memory_space<vmem>> -> memref<128xi32, #tpu.memory_space<vmem>>
        %dma_wait3A_29 = arith.constant 0 : i32
        %dma_wait3A_30 = arith.constant 0 : i32
        %dma_wait3A_31 = tpu.memref_slice %arg10[%dma_wait3A_29, %dma_wait3A_30] : memref<10240x128xf32, #tpu.memory_space<vmem_shared>> -> memref<10240x128xf32, #tpu.memory_space<vmem_shared>>
        tpu.wait_indirect_dma semaphore(%run_scoped3A : memref<!tpu.dma_semaphore, #tpu.memory_space<semaphore_mem>>) src(%arg9 : memref<128x128xf32, #tpu.memory_space<vmem>>) dst(%dma_wait3A_31 : memref<10240x128xf32, #tpu.memory_space<vmem_shared>>)
        tpu.yield
      }) : () -> ()
    }
    %scan3A_7 = arith.constant 79 : i32
    %barrier3A_8 = arith.constant 0 : index
    tpu.barrier barrier_id(%barrier3A_8)
    "tpu.region"() ({
      %run_scoped3A = tpu.sem_alloc : memref<!tpu.dma_semaphore, #tpu.memory_space<semaphore_mem>>
      %dma_start3A = arith.constant 0 : i32
      %dma_start3A_9 = tpu.memref_slice %arg6[%arg0, %mul3A_2, %dma_start3A] : memref<2x10240x128xf32, #tpu.memory_space<hbm>> -> memref<1x640x128xf32, #tpu.memory_space<hbm>>
      %dma_start3A_10 = tpu.memref_squeeze %dma_start3A_9 : memref<1x640x128xf32, #tpu.memory_space<hbm>> -> memref<640x128xf32, #tpu.memory_space<hbm>>
      %dma_start3A_11 = arith.constant 0 : i32
      %dma_start3A_12 = tpu.memref_slice %arg10[%mul3A_2, %dma_start3A_11] : memref<10240x128xf32, #tpu.memory_space<vmem_shared>> -> memref<640x128xf32, #tpu.memory_space<vmem_shared>>
      tpu.enqueue_dma source(%dma_start3A_12 : memref<640x128xf32, #tpu.memory_space<vmem_shared>>) target(%dma_start3A_10 : memref<640x128xf32, #tpu.memory_space<hbm>>) target_semaphore(%run_scoped3A : memref<!tpu.dma_semaphore, #tpu.memory_space<semaphore_mem>>)
      %dma_wait3A = arith.constant 0 : i32
      %dma_wait3A_13 = tpu.memref_slice %arg6[%arg0, %mul3A_2, %dma_wait3A] : memref<2x10240x128xf32, #tpu.memory_space<hbm>> -> memref<1x640x128xf32, #tpu.memory_space<hbm>>
      %dma_wait3A_14 = tpu.memref_squeeze %dma_wait3A_13 : memref<1x640x128xf32, #tpu.memory_space<hbm>> -> memref<640x128xf32, #tpu.memory_space<hbm>>
      %dma_wait3A_15 = arith.constant 0 : i32
      %dma_wait3A_16 = tpu.memref_slice %arg10[%mul3A_2, %dma_wait3A_15] : memref<10240x128xf32, #tpu.memory_space<vmem_shared>> -> memref<640x128xf32, #tpu.memory_space<vmem_shared>>
      tpu.wait_dma2 semaphore(%run_scoped3A : memref<!tpu.dma_semaphore, #tpu.memory_space<semaphore_mem>>) src(%dma_wait3A_16 : memref<640x128xf32, #tpu.memory_space<vmem_shared>>) dst(%dma_wait3A_14 : memref<640x128xf32, #tpu.memory_space<hbm>>)
      tpu.yield
    }) : () -> ()
    return
  }
}

#map = affine_map<(d0, d1) -> (0, 0)>
#map1 = affine_map<(d0, d1) -> (0, 0, 0)>
module attributes {stable_mosaic.version = 14 : i64} {
  func.func @seg_kernel(%arg0: i32, %arg1: i32, %arg2: memref<10000x128xf32, #tpu.memory_space<hbm>>, %arg3: memref<32x79x128xi32, #tpu.memory_space<hbm>>, %arg4: memref<32x79x128xi32, #tpu.memory_space<hbm>>, %arg5: memref<640x128xf32, #tpu.memory_space<hbm>>, %arg6: memref<2x10240x128xf32, #tpu.memory_space<hbm>>, %arg7: memref<79x128xi32, #tpu.memory_space<vmem>>, %arg8: memref<79x128xi32, #tpu.memory_space<vmem>>, %arg9: memref<128x128xf32, #tpu.memory_space<vmem>>, %arg10: memref<10240x128xf32, #tpu.memory_space<vmem_shared>>, %arg11: memref<!tpu.dma_semaphore, #tpu.memory_space<semaphore_mem>>) attributes {dimension_semantics = [#tpu.dimension_semantics<core_parallel>, #tpu.dimension_semantics<subcore_parallel>], iteration_bounds = array<i64: 2, 16>, scalar_prefetch = 0 : i64, scratch_operands = 5 : i64, tpu.core_type = #tpu.core_type<sc_vector_subcore>, window_params = [{transform_indices = #map}, {transform_indices = #map1}, {transform_indices = #map1}, {transform_indices = #map}, {transform_indices = #map1}]} {
    %mul3A = arith.constant 16 : i32
    %mul3A_0 = arith.muli %arg0, %mul3A : i32
    %add3A = arith.addi %mul3A_0, %arg1 : i32
    %mul3A_1 = arith.constant 640 : i32
    %mul3A_2 = arith.muli %arg1, %mul3A_1 : i32
    "tpu.region"() ({
      %run_scoped3A = tpu.sem_alloc : memref<!tpu.dma_semaphore, #tpu.memory_space<semaphore_mem>>
      %dma_start3A = arith.constant 0 : i32
      %dma_start3A_9 = tpu.memref_slice %arg10[%mul3A_2, %dma_start3A] : memref<10240x128xf32, #tpu.memory_space<vmem_shared>> -> memref<640x128xf32, #tpu.memory_space<vmem_shared>>
      tpu.enqueue_dma source(%arg5 : memref<640x128xf32, #tpu.memory_space<hbm>>) target(%dma_start3A_9 : memref<640x128xf32, #tpu.memory_space<vmem_shared>>) target_semaphore(%run_scoped3A : memref<!tpu.dma_semaphore, #tpu.memory_space<semaphore_mem>>)
      %dma_wait3A = arith.constant 0 : i32
      %dma_wait3A_10 = tpu.memref_slice %arg10[%mul3A_2, %dma_wait3A] : memref<10240x128xf32, #tpu.memory_space<vmem_shared>> -> memref<640x128xf32, #tpu.memory_space<vmem_shared>>
      tpu.wait_dma2 semaphore(%run_scoped3A : memref<!tpu.dma_semaphore, #tpu.memory_space<semaphore_mem>>) src(%arg5 : memref<640x128xf32, #tpu.memory_space<hbm>>) dst(%dma_wait3A_10 : memref<640x128xf32, #tpu.memory_space<vmem_shared>>)
      tpu.yield
    }) : () -> ()
    "tpu.region"() ({
      %run_scoped3A = tpu.sem_alloc : memref<!tpu.dma_semaphore, #tpu.memory_space<semaphore_mem>>
      %dma_start3A = arith.constant 0 : i32
      %dma_start3A_9 = arith.constant 0 : i32
      %dma_start3A_10 = tpu.memref_slice %arg3[%add3A, %dma_start3A, %dma_start3A_9] : memref<32x79x128xi32, #tpu.memory_space<hbm>> -> memref<1x79x128xi32, #tpu.memory_space<hbm>>
      %dma_start3A_11 = tpu.memref_squeeze %dma_start3A_10 : memref<1x79x128xi32, #tpu.memory_space<hbm>> -> memref<79x128xi32, #tpu.memory_space<hbm>>
      %dma_start3A_12 = arith.constant 0 : i32
      %dma_start3A_13 = arith.constant 0 : i32
      %dma_start3A_14 = tpu.memref_slice %arg3[%add3A, %dma_start3A_12, %dma_start3A_13] : memref<32x79x128xi32, #tpu.memory_space<hbm>> -> memref<1x79x128xi32, #tpu.memory_space<hbm>>
      %dma_start3A_15 = tpu.memref_squeeze %dma_start3A_14 : memref<1x79x128xi32, #tpu.memory_space<hbm>> -> memref<79x128xi32, #tpu.memory_space<hbm>>
      tpu.enqueue_dma source(%dma_start3A_15 : memref<79x128xi32, #tpu.memory_space<hbm>>) target(%arg7 : memref<79x128xi32, #tpu.memory_space<vmem>>) target_semaphore(%run_scoped3A : memref<!tpu.dma_semaphore, #tpu.memory_space<semaphore_mem>>)
      %dma_wait3A = arith.constant 0 : i32
      %dma_wait3A_16 = arith.constant 0 : i32
      %dma_wait3A_17 = tpu.memref_slice %arg3[%add3A, %dma_wait3A, %dma_wait3A_16] : memref<32x79x128xi32, #tpu.memory_space<hbm>> -> memref<1x79x128xi32, #tpu.memory_space<hbm>>
      %dma_wait3A_18 = tpu.memref_squeeze %dma_wait3A_17 : memref<1x79x128xi32, #tpu.memory_space<hbm>> -> memref<79x128xi32, #tpu.memory_space<hbm>>
      %dma_wait3A_19 = arith.constant 0 : i32
      %dma_wait3A_20 = arith.constant 0 : i32
      %dma_wait3A_21 = tpu.memref_slice %arg3[%add3A, %dma_wait3A_19, %dma_wait3A_20] : memref<32x79x128xi32, #tpu.memory_space<hbm>> -> memref<1x79x128xi32, #tpu.memory_space<hbm>>
      %dma_wait3A_22 = tpu.memref_squeeze %dma_wait3A_21 : memref<1x79x128xi32, #tpu.memory_space<hbm>> -> memref<79x128xi32, #tpu.memory_space<hbm>>
      tpu.wait_dma2 semaphore(%run_scoped3A : memref<!tpu.dma_semaphore, #tpu.memory_space<semaphore_mem>>) src(%dma_wait3A_22 : memref<79x128xi32, #tpu.memory_space<hbm>>) dst(%arg7 : memref<79x128xi32, #tpu.memory_space<vmem>>)
      tpu.yield
    }) : () -> ()
    "tpu.region"() ({
      %run_scoped3A = tpu.sem_alloc : memref<!tpu.dma_semaphore, #tpu.memory_space<semaphore_mem>>
      %dma_start3A = arith.constant 0 : i32
      %dma_start3A_9 = arith.constant 0 : i32
      %dma_start3A_10 = tpu.memref_slice %arg4[%add3A, %dma_start3A, %dma_start3A_9] : memref<32x79x128xi32, #tpu.memory_space<hbm>> -> memref<1x79x128xi32, #tpu.memory_space<hbm>>
      %dma_start3A_11 = tpu.memref_squeeze %dma_start3A_10 : memref<1x79x128xi32, #tpu.memory_space<hbm>> -> memref<79x128xi32, #tpu.memory_space<hbm>>
      %dma_start3A_12 = arith.constant 0 : i32
      %dma_start3A_13 = arith.constant 0 : i32
      %dma_start3A_14 = tpu.memref_slice %arg4[%add3A, %dma_start3A_12, %dma_start3A_13] : memref<32x79x128xi32, #tpu.memory_space<hbm>> -> memref<1x79x128xi32, #tpu.memory_space<hbm>>
      %dma_start3A_15 = tpu.memref_squeeze %dma_start3A_14 : memref<1x79x128xi32, #tpu.memory_space<hbm>> -> memref<79x128xi32, #tpu.memory_space<hbm>>
      tpu.enqueue_dma source(%dma_start3A_15 : memref<79x128xi32, #tpu.memory_space<hbm>>) target(%arg8 : memref<79x128xi32, #tpu.memory_space<vmem>>) target_semaphore(%run_scoped3A : memref<!tpu.dma_semaphore, #tpu.memory_space<semaphore_mem>>)
      %dma_wait3A = arith.constant 0 : i32
      %dma_wait3A_16 = arith.constant 0 : i32
      %dma_wait3A_17 = tpu.memref_slice %arg4[%add3A, %dma_wait3A, %dma_wait3A_16] : memref<32x79x128xi32, #tpu.memory_space<hbm>> -> memref<1x79x128xi32, #tpu.memory_space<hbm>>
      %dma_wait3A_18 = tpu.memref_squeeze %dma_wait3A_17 : memref<1x79x128xi32, #tpu.memory_space<hbm>> -> memref<79x128xi32, #tpu.memory_space<hbm>>
      %dma_wait3A_19 = arith.constant 0 : i32
      %dma_wait3A_20 = arith.constant 0 : i32
      %dma_wait3A_21 = tpu.memref_slice %arg4[%add3A, %dma_wait3A_19, %dma_wait3A_20] : memref<32x79x128xi32, #tpu.memory_space<hbm>> -> memref<1x79x128xi32, #tpu.memory_space<hbm>>
      %dma_wait3A_22 = tpu.memref_squeeze %dma_wait3A_21 : memref<1x79x128xi32, #tpu.memory_space<hbm>> -> memref<79x128xi32, #tpu.memory_space<hbm>>
      tpu.wait_dma2 semaphore(%run_scoped3A : memref<!tpu.dma_semaphore, #tpu.memory_space<semaphore_mem>>) src(%dma_wait3A_22 : memref<79x128xi32, #tpu.memory_space<hbm>>) dst(%arg8 : memref<79x128xi32, #tpu.memory_space<vmem>>)
      tpu.yield
    }) : () -> ()
    %barrier3A = arith.constant 0 : index
    tpu.barrier barrier_id(%barrier3A)
    %scan3A = arith.constant 0 : i32
    %scan3A_3 = arith.constant 0 : i32
    %scan3A_4 = arith.constant 79 : i32
    %scan3A_5 = arith.addi %scan3A_3, %scan3A_4 : i32
    %scan3A_6 = arith.constant 1 : i32
    scf.for %scan3A_9 = %scan3A_3 to %scan3A_5 step %scan3A_6  : i32 {
      %dma_start3A = arith.constant 0 : i32
      %dma_start3A_10 = tpu.memref_slice %arg7[%scan3A_9, %dma_start3A] : memref<79x128xi32, #tpu.memory_space<vmem>> -> memref<1x128xi32, #tpu.memory_space<vmem>>
      %dma_start3A_11 = tpu.memref_squeeze %dma_start3A_10 : memref<1x128xi32, #tpu.memory_space<vmem>> -> memref<128xi32, #tpu.memory_space<vmem>>
      %dma_start3A_12 = arith.constant 0 : i32
      %dma_start3A_13 = arith.constant 0 : i32
      %dma_start3A_14 = tpu.memref_slice %arg2[%dma_start3A_12, %dma_start3A_13] : memref<10000x128xf32, #tpu.memory_space<hbm>> -> memref<10000x128xf32, #tpu.memory_space<hbm>>
      tpu.enqueue_indirect_dma source(%dma_start3A_14 : memref<10000x128xf32, #tpu.memory_space<hbm>>) target(%arg9 : memref<128x128xf32, #tpu.memory_space<vmem>>) offsets(%dma_start3A_11 : memref<128xi32, #tpu.memory_space<vmem>>) semaphore(%arg11 : memref<!tpu.dma_semaphore, #tpu.memory_space<semaphore_mem>>)
      %dma_wait3A = arith.constant 0 : i32
      %dma_wait3A_15 = tpu.memref_slice %arg7[%scan3A_9, %dma_wait3A] : memref<79x128xi32, #tpu.memory_space<vmem>> -> memref<1x128xi32, #tpu.memory_space<vmem>>
      %dma_wait3A_16 = tpu.memref_squeeze %dma_wait3A_15 : memref<1x128xi32, #tpu.memory_space<vmem>> -> memref<128xi32, #tpu.memory_space<vmem>>
      %dma_wait3A_17 = arith.constant 0 : i32
      %dma_wait3A_18 = arith.constant 0 : i32
      %dma_wait3A_19 = tpu.memref_slice %arg2[%dma_wait3A_17, %dma_wait3A_18] : memref<10000x128xf32, #tpu.memory_space<hbm>> -> memref<10000x128xf32, #tpu.memory_space<hbm>>
      tpu.wait_indirect_dma semaphore(%arg11 : memref<!tpu.dma_semaphore, #tpu.memory_space<semaphore_mem>>) src(%dma_wait3A_19 : memref<10000x128xf32, #tpu.memory_space<hbm>>) dst(%arg9 : memref<128x128xf32, #tpu.memory_space<vmem>>)
      "tpu.region"() ({
        %run_scoped3A = tpu.sem_alloc : memref<!tpu.dma_semaphore, #tpu.memory_space<semaphore_mem>>
        %dma_start3A_20 = arith.constant 0 : i32
        %dma_start3A_21 = tpu.memref_slice %arg8[%scan3A_9, %dma_start3A_20] : memref<79x128xi32, #tpu.memory_space<vmem>> -> memref<1x128xi32, #tpu.memory_space<vmem>>
        %dma_start3A_22 = tpu.memref_squeeze %dma_start3A_21 : memref<1x128xi32, #tpu.memory_space<vmem>> -> memref<128xi32, #tpu.memory_space<vmem>>
        %dma_start3A_23 = arith.constant 0 : i32
        %dma_start3A_24 = arith.constant 0 : i32
        %dma_start3A_25 = tpu.memref_slice %arg10[%dma_start3A_23, %dma_start3A_24] : memref<10240x128xf32, #tpu.memory_space<vmem_shared>> -> memref<10240x128xf32, #tpu.memory_space<vmem_shared>>
        tpu.enqueue_indirect_dma source(%arg9 : memref<128x128xf32, #tpu.memory_space<vmem>>) target(%dma_start3A_25 : memref<10240x128xf32, #tpu.memory_space<vmem_shared>>) offsets(%dma_start3A_22 : memref<128xi32, #tpu.memory_space<vmem>>) semaphore(%run_scoped3A : memref<!tpu.dma_semaphore, #tpu.memory_space<semaphore_mem>>) {add = true}
        %dma_wait3A_26 = arith.constant 0 : i32
        %dma_wait3A_27 = tpu.memref_slice %arg8[%scan3A_9, %dma_wait3A_26] : memref<79x128xi32, #tpu.memory_space<vmem>> -> memref<1x128xi32, #tpu.memory_space<vmem>>
        %dma_wait3A_28 = tpu.memref_squeeze %dma_wait3A_27 : memref<1x128xi32, #tpu.memory_space<vmem>> -> memref<128xi32, #tpu.memory_space<vmem>>
        %dma_wait3A_29 = arith.constant 0 : i32
        %dma_wait3A_30 = arith.constant 0 : i32
        %dma_wait3A_31 = tpu.memref_slice %arg10[%dma_wait3A_29, %dma_wait3A_30] : memref<10240x128xf32, #tpu.memory_space<vmem_shared>> -> memref<10240x128xf32, #tpu.memory_space<vmem_shared>>
        tpu.wait_indirect_dma semaphore(%run_scoped3A : memref<!tpu.dma_semaphore, #tpu.memory_space<semaphore_mem>>) src(%arg9 : memref<128x128xf32, #tpu.memory_space<vmem>>) dst(%dma_wait3A_31 : memref<10240x128xf32, #tpu.memory_space<vmem_shared>>)
        tpu.yield
      }) : () -> ()
    }
    %scan3A_7 = arith.constant 79 : i32
    %barrier3A_8 = arith.constant 0 : index
    tpu.barrier barrier_id(%barrier3A_8)
    "tpu.region"() ({
      %run_scoped3A = tpu.sem_alloc : memref<!tpu.dma_semaphore, #tpu.memory_space<semaphore_mem>>
      %dma_start3A = arith.constant 0 : i32
      %dma_start3A_9 = tpu.memref_slice %arg6[%arg0, %mul3A_2, %dma_start3A] : memref<2x10240x128xf32, #tpu.memory_space<hbm>> -> memref<1x640x128xf32, #tpu.memory_space<hbm>>
      %dma_start3A_10 = tpu.memref_squeeze %dma_start3A_9 : memref<1x640x128xf32, #tpu.memory_space<hbm>> -> memref<640x128xf32, #tpu.memory_space<hbm>>
      %dma_start3A_11 = arith.constant 0 : i32
      %dma_start3A_12 = tpu.memref_slice %arg10[%mul3A_2, %dma_start3A_11] : memref<10240x128xf32, #tpu.memory_space<vmem_shared>> -> memref<640x128xf32, #tpu.memory_space<vmem_shared>>
      tpu.enqueue_dma source(%dma_start3A_12 : memref<640x128xf32, #tpu.memory_space<vmem_shared>>) target(%dma_start3A_10 : memref<640x128xf32, #tpu.memory_space<hbm>>) target_semaphore(%run_scoped3A : memref<!tpu.dma_semaphore, #tpu.memory_space<semaphore_mem>>)
      %dma_wait3A = arith.constant 0 : i32
      %dma_wait3A_13 = tpu.memref_slice %arg6[%arg0, %mul3A_2, %dma_wait3A] : memref<2x10240x128xf32, #tpu.memory_space<hbm>> -> memref<1x640x128xf32, #tpu.memory_space<hbm>>
      %dma_wait3A_14 = tpu.memref_squeeze %dma_wait3A_13 : memref<1x640x128xf32, #tpu.memory_space<hbm>> -> memref<640x128xf32, #tpu.memory_space<hbm>>
      %dma_wait3A_15 = arith.constant 0 : i32
      %dma_wait3A_16 = tpu.memref_slice %arg10[%mul3A_2, %dma_wait3A_15] : memref<10240x128xf32, #tpu.memory_space<vmem_shared>> -> memref<640x128xf32, #tpu.memory_space<vmem_shared>>
      tpu.wait_dma2 semaphore(%run_scoped3A : memref<!tpu.dma_semaphore, #tpu.memory_space<semaphore_mem>>) src(%dma_wait3A_16 : memref<640x128xf32, #tpu.memory_space<vmem_shared>>) dst(%dma_wait3A_14 : memref<640x128xf32, #tpu.memory_space<hbm>>)
      tpu.yield
    }) : () -> ()
    return
  }
}

#map = affine_map<(d0, d1) -> (0, 0)>
#map1 = affine_map<(d0, d1) -> (0, 0, 0)>
module attributes {stable_mosaic.version = 14 : i64} {
  func.func @seg_kernel(%arg0: i32, %arg1: i32, %arg2: memref<10000x128xf32, #tpu.memory_space<hbm>>, %arg3: memref<32x79x128xi32, #tpu.memory_space<hbm>>, %arg4: memref<32x79x128xi32, #tpu.memory_space<hbm>>, %arg5: memref<640x128xf32, #tpu.memory_space<hbm>>, %arg6: memref<2x10240x128xf32, #tpu.memory_space<hbm>>, %arg7: memref<79x128xi32, #tpu.memory_space<vmem>>, %arg8: memref<79x128xi32, #tpu.memory_space<vmem>>, %arg9: memref<128x128xf32, #tpu.memory_space<vmem>>, %arg10: memref<10240x128xf32, #tpu.memory_space<vmem_shared>>, %arg11: memref<!tpu.dma_semaphore, #tpu.memory_space<semaphore_mem>>) attributes {dimension_semantics = [#tpu.dimension_semantics<core_parallel>, #tpu.dimension_semantics<subcore_parallel>], iteration_bounds = array<i64: 2, 16>, scalar_prefetch = 0 : i64, scratch_operands = 5 : i64, tpu.core_type = #tpu.core_type<sc_vector_subcore>, window_params = [{transform_indices = #map}, {transform_indices = #map1}, {transform_indices = #map1}, {transform_indices = #map}, {transform_indices = #map1}]} {
    %mul3A = arith.constant 16 : i32
    %mul3A_0 = arith.muli %arg0, %mul3A : i32
    %add3A = arith.addi %mul3A_0, %arg1 : i32
    %mul3A_1 = arith.constant 640 : i32
    %mul3A_2 = arith.muli %arg1, %mul3A_1 : i32
    "tpu.region"() ({
      %run_scoped3A = tpu.sem_alloc : memref<!tpu.dma_semaphore, #tpu.memory_space<semaphore_mem>>
      %dma_start3A = arith.constant 0 : i32
      %dma_start3A_9 = tpu.memref_slice %arg10[%mul3A_2, %dma_start3A] : memref<10240x128xf32, #tpu.memory_space<vmem_shared>> -> memref<640x128xf32, #tpu.memory_space<vmem_shared>>
      tpu.enqueue_dma source(%arg5 : memref<640x128xf32, #tpu.memory_space<hbm>>) target(%dma_start3A_9 : memref<640x128xf32, #tpu.memory_space<vmem_shared>>) target_semaphore(%run_scoped3A : memref<!tpu.dma_semaphore, #tpu.memory_space<semaphore_mem>>)
      %dma_wait3A = arith.constant 0 : i32
      %dma_wait3A_10 = tpu.memref_slice %arg10[%mul3A_2, %dma_wait3A] : memref<10240x128xf32, #tpu.memory_space<vmem_shared>> -> memref<640x128xf32, #tpu.memory_space<vmem_shared>>
      tpu.wait_dma2 semaphore(%run_scoped3A : memref<!tpu.dma_semaphore, #tpu.memory_space<semaphore_mem>>) src(%arg5 : memref<640x128xf32, #tpu.memory_space<hbm>>) dst(%dma_wait3A_10 : memref<640x128xf32, #tpu.memory_space<vmem_shared>>)
      tpu.yield
    }) : () -> ()
    "tpu.region"() ({
      %run_scoped3A = tpu.sem_alloc : memref<!tpu.dma_semaphore, #tpu.memory_space<semaphore_mem>>
      %dma_start3A = arith.constant 0 : i32
      %dma_start3A_9 = arith.constant 0 : i32
      %dma_start3A_10 = tpu.memref_slice %arg3[%add3A, %dma_start3A, %dma_start3A_9] : memref<32x79x128xi32, #tpu.memory_space<hbm>> -> memref<1x79x128xi32, #tpu.memory_space<hbm>>
      %dma_start3A_11 = tpu.memref_squeeze %dma_start3A_10 : memref<1x79x128xi32, #tpu.memory_space<hbm>> -> memref<79x128xi32, #tpu.memory_space<hbm>>
      %dma_start3A_12 = arith.constant 0 : i32
      %dma_start3A_13 = arith.constant 0 : i32
      %dma_start3A_14 = tpu.memref_slice %arg3[%add3A, %dma_start3A_12, %dma_start3A_13] : memref<32x79x128xi32, #tpu.memory_space<hbm>> -> memref<1x79x128xi32, #tpu.memory_space<hbm>>
      %dma_start3A_15 = tpu.memref_squeeze %dma_start3A_14 : memref<1x79x128xi32, #tpu.memory_space<hbm>> -> memref<79x128xi32, #tpu.memory_space<hbm>>
      tpu.enqueue_dma source(%dma_start3A_15 : memref<79x128xi32, #tpu.memory_space<hbm>>) target(%arg7 : memref<79x128xi32, #tpu.memory_space<vmem>>) target_semaphore(%run_scoped3A : memref<!tpu.dma_semaphore, #tpu.memory_space<semaphore_mem>>)
      %dma_wait3A = arith.constant 0 : i32
      %dma_wait3A_16 = arith.constant 0 : i32
      %dma_wait3A_17 = tpu.memref_slice %arg3[%add3A, %dma_wait3A, %dma_wait3A_16] : memref<32x79x128xi32, #tpu.memory_space<hbm>> -> memref<1x79x128xi32, #tpu.memory_space<hbm>>
      %dma_wait3A_18 = tpu.memref_squeeze %dma_wait3A_17 : memref<1x79x128xi32, #tpu.memory_space<hbm>> -> memref<79x128xi32, #tpu.memory_space<hbm>>
      %dma_wait3A_19 = arith.constant 0 : i32
      %dma_wait3A_20 = arith.constant 0 : i32
      %dma_wait3A_21 = tpu.memref_slice %arg3[%add3A, %dma_wait3A_19, %dma_wait3A_20] : memref<32x79x128xi32, #tpu.memory_space<hbm>> -> memref<1x79x128xi32, #tpu.memory_space<hbm>>
      %dma_wait3A_22 = tpu.memref_squeeze %dma_wait3A_21 : memref<1x79x128xi32, #tpu.memory_space<hbm>> -> memref<79x128xi32, #tpu.memory_space<hbm>>
      tpu.wait_dma2 semaphore(%run_scoped3A : memref<!tpu.dma_semaphore, #tpu.memory_space<semaphore_mem>>) src(%dma_wait3A_22 : memref<79x128xi32, #tpu.memory_space<hbm>>) dst(%arg7 : memref<79x128xi32, #tpu.memory_space<vmem>>)
      tpu.yield
    }) : () -> ()
    "tpu.region"() ({
      %run_scoped3A = tpu.sem_alloc : memref<!tpu.dma_semaphore, #tpu.memory_space<semaphore_mem>>
      %dma_start3A = arith.constant 0 : i32
      %dma_start3A_9 = arith.constant 0 : i32
      %dma_start3A_10 = tpu.memref_slice %arg4[%add3A, %dma_start3A, %dma_start3A_9] : memref<32x79x128xi32, #tpu.memory_space<hbm>> -> memref<1x79x128xi32, #tpu.memory_space<hbm>>
      %dma_start3A_11 = tpu.memref_squeeze %dma_start3A_10 : memref<1x79x128xi32, #tpu.memory_space<hbm>> -> memref<79x128xi32, #tpu.memory_space<hbm>>
      %dma_start3A_12 = arith.constant 0 : i32
      %dma_start3A_13 = arith.constant 0 : i32
      %dma_start3A_14 = tpu.memref_slice %arg4[%add3A, %dma_start3A_12, %dma_start3A_13] : memref<32x79x128xi32, #tpu.memory_space<hbm>> -> memref<1x79x128xi32, #tpu.memory_space<hbm>>
      %dma_start3A_15 = tpu.memref_squeeze %dma_start3A_14 : memref<1x79x128xi32, #tpu.memory_space<hbm>> -> memref<79x128xi32, #tpu.memory_space<hbm>>
      tpu.enqueue_dma source(%dma_start3A_15 : memref<79x128xi32, #tpu.memory_space<hbm>>) target(%arg8 : memref<79x128xi32, #tpu.memory_space<vmem>>) target_semaphore(%run_scoped3A : memref<!tpu.dma_semaphore, #tpu.memory_space<semaphore_mem>>)
      %dma_wait3A = arith.constant 0 : i32
      %dma_wait3A_16 = arith.constant 0 : i32
      %dma_wait3A_17 = tpu.memref_slice %arg4[%add3A, %dma_wait3A, %dma_wait3A_16] : memref<32x79x128xi32, #tpu.memory_space<hbm>> -> memref<1x79x128xi32, #tpu.memory_space<hbm>>
      %dma_wait3A_18 = tpu.memref_squeeze %dma_wait3A_17 : memref<1x79x128xi32, #tpu.memory_space<hbm>> -> memref<79x128xi32, #tpu.memory_space<hbm>>
      %dma_wait3A_19 = arith.constant 0 : i32
      %dma_wait3A_20 = arith.constant 0 : i32
      %dma_wait3A_21 = tpu.memref_slice %arg4[%add3A, %dma_wait3A_19, %dma_wait3A_20] : memref<32x79x128xi32, #tpu.memory_space<hbm>> -> memref<1x79x128xi32, #tpu.memory_space<hbm>>
      %dma_wait3A_22 = tpu.memref_squeeze %dma_wait3A_21 : memref<1x79x128xi32, #tpu.memory_space<hbm>> -> memref<79x128xi32, #tpu.memory_space<hbm>>
      tpu.wait_dma2 semaphore(%run_scoped3A : memref<!tpu.dma_semaphore, #tpu.memory_space<semaphore_mem>>) src(%dma_wait3A_22 : memref<79x128xi32, #tpu.memory_space<hbm>>) dst(%arg8 : memref<79x128xi32, #tpu.memory_space<vmem>>)
      tpu.yield
    }) : () -> ()
    %barrier3A = arith.constant 0 : index
    tpu.barrier barrier_id(%barrier3A)
    %scan3A = arith.constant 0 : i32
    %scan3A_3 = arith.constant 0 : i32
    %scan3A_4 = arith.constant 79 : i32
    %scan3A_5 = arith.addi %scan3A_3, %scan3A_4 : i32
    %scan3A_6 = arith.constant 1 : i32
    scf.for %scan3A_9 = %scan3A_3 to %scan3A_5 step %scan3A_6  : i32 {
      %dma_start3A = arith.constant 0 : i32
      %dma_start3A_10 = tpu.memref_slice %arg7[%scan3A_9, %dma_start3A] : memref<79x128xi32, #tpu.memory_space<vmem>> -> memref<1x128xi32, #tpu.memory_space<vmem>>
      %dma_start3A_11 = tpu.memref_squeeze %dma_start3A_10 : memref<1x128xi32, #tpu.memory_space<vmem>> -> memref<128xi32, #tpu.memory_space<vmem>>
      %dma_start3A_12 = arith.constant 0 : i32
      %dma_start3A_13 = arith.constant 0 : i32
      %dma_start3A_14 = tpu.memref_slice %arg2[%dma_start3A_12, %dma_start3A_13] : memref<10000x128xf32, #tpu.memory_space<hbm>> -> memref<10000x128xf32, #tpu.memory_space<hbm>>
      tpu.enqueue_indirect_dma source(%dma_start3A_14 : memref<10000x128xf32, #tpu.memory_space<hbm>>) target(%arg9 : memref<128x128xf32, #tpu.memory_space<vmem>>) offsets(%dma_start3A_11 : memref<128xi32, #tpu.memory_space<vmem>>) semaphore(%arg11 : memref<!tpu.dma_semaphore, #tpu.memory_space<semaphore_mem>>)
      %dma_wait3A = arith.constant 0 : i32
      %dma_wait3A_15 = tpu.memref_slice %arg7[%scan3A_9, %dma_wait3A] : memref<79x128xi32, #tpu.memory_space<vmem>> -> memref<1x128xi32, #tpu.memory_space<vmem>>
      %dma_wait3A_16 = tpu.memref_squeeze %dma_wait3A_15 : memref<1x128xi32, #tpu.memory_space<vmem>> -> memref<128xi32, #tpu.memory_space<vmem>>
      %dma_wait3A_17 = arith.constant 0 : i32
      %dma_wait3A_18 = arith.constant 0 : i32
      %dma_wait3A_19 = tpu.memref_slice %arg2[%dma_wait3A_17, %dma_wait3A_18] : memref<10000x128xf32, #tpu.memory_space<hbm>> -> memref<10000x128xf32, #tpu.memory_space<hbm>>
      tpu.wait_indirect_dma semaphore(%arg11 : memref<!tpu.dma_semaphore, #tpu.memory_space<semaphore_mem>>) src(%dma_wait3A_19 : memref<10000x128xf32, #tpu.memory_space<hbm>>) dst(%arg9 : memref<128x128xf32, #tpu.memory_space<vmem>>)
      "tpu.region"() ({
        %run_scoped3A = tpu.sem_alloc : memref<!tpu.dma_semaphore, #tpu.memory_space<semaphore_mem>>
        %dma_start3A_20 = arith.constant 0 : i32
        %dma_start3A_21 = tpu.memref_slice %arg8[%scan3A_9, %dma_start3A_20] : memref<79x128xi32, #tpu.memory_space<vmem>> -> memref<1x128xi32, #tpu.memory_space<vmem>>
        %dma_start3A_22 = tpu.memref_squeeze %dma_start3A_21 : memref<1x128xi32, #tpu.memory_space<vmem>> -> memref<128xi32, #tpu.memory_space<vmem>>
        %dma_start3A_23 = arith.constant 0 : i32
        %dma_start3A_24 = arith.constant 0 : i32
        %dma_start3A_25 = tpu.memref_slice %arg10[%dma_start3A_23, %dma_start3A_24] : memref<10240x128xf32, #tpu.memory_space<vmem_shared>> -> memref<10240x128xf32, #tpu.memory_space<vmem_shared>>
        tpu.enqueue_indirect_dma source(%arg9 : memref<128x128xf32, #tpu.memory_space<vmem>>) target(%dma_start3A_25 : memref<10240x128xf32, #tpu.memory_space<vmem_shared>>) offsets(%dma_start3A_22 : memref<128xi32, #tpu.memory_space<vmem>>) semaphore(%run_scoped3A : memref<!tpu.dma_semaphore, #tpu.memory_space<semaphore_mem>>) {add = true}
        %dma_wait3A_26 = arith.constant 0 : i32
        %dma_wait3A_27 = tpu.memref_slice %arg8[%scan3A_9, %dma_wait3A_26] : memref<79x128xi32, #tpu.memory_space<vmem>> -> memref<1x128xi32, #tpu.memory_space<vmem>>
        %dma_wait3A_28 = tpu.memref_squeeze %dma_wait3A_27 : memref<1x128xi32, #tpu.memory_space<vmem>> -> memref<128xi32, #tpu.memory_space<vmem>>
        %dma_wait3A_29 = arith.constant 0 : i32
        %dma_wait3A_30 = arith.constant 0 : i32
        %dma_wait3A_31 = tpu.memref_slice %arg10[%dma_wait3A_29, %dma_wait3A_30] : memref<10240x128xf32, #tpu.memory_space<vmem_shared>> -> memref<10240x128xf32, #tpu.memory_space<vmem_shared>>
        tpu.wait_indirect_dma semaphore(%run_scoped3A : memref<!tpu.dma_semaphore, #tpu.memory_space<semaphore_mem>>) src(%arg9 : memref<128x128xf32, #tpu.memory_space<vmem>>) dst(%dma_wait3A_31 : memref<10240x128xf32, #tpu.memory_space<vmem_shared>>)
        tpu.yield
      }) : () -> ()
    }
    %scan3A_7 = arith.constant 79 : i32
    %barrier3A_8 = arith.constant 0 : index
    tpu.barrier barrier_id(%barrier3A_8)
    "tpu.region"() ({
      %run_scoped3A = tpu.sem_alloc : memref<!tpu.dma_semaphore, #tpu.memory_space<semaphore_mem>>
      %dma_start3A = arith.constant 0 : i32
      %dma_start3A_9 = tpu.memref_slice %arg6[%arg0, %mul3A_2, %dma_start3A] : memref<2x10240x128xf32, #tpu.memory_space<hbm>> -> memref<1x640x128xf32, #tpu.memory_space<hbm>>
      %dma_start3A_10 = tpu.memref_squeeze %dma_start3A_9 : memref<1x640x128xf32, #tpu.memory_space<hbm>> -> memref<640x128xf32, #tpu.memory_space<hbm>>
      %dma_start3A_11 = arith.constant 0 : i32
      %dma_start3A_12 = tpu.memref_slice %arg10[%mul3A_2, %dma_start3A_11] : memref<10240x128xf32, #tpu.memory_space<vmem_shared>> -> memref<640x128xf32, #tpu.memory_space<vmem_shared>>
      tpu.enqueue_dma source(%dma_start3A_12 : memref<640x128xf32, #tpu.memory_space<vmem_shared>>) target(%dma_start3A_10 : memref<640x128xf32, #tpu.memory_space<hbm>>) target_semaphore(%run_scoped3A : memref<!tpu.dma_semaphore, #tpu.memory_space<semaphore_mem>>)
      %dma_wait3A = arith.constant 0 : i32
      %dma_wait3A_13 = tpu.memref_slice %arg6[%arg0, %mul3A_2, %dma_wait3A] : memref<2x10240x128xf32, #tpu.memory_space<hbm>> -> memref<1x640x128xf32, #tpu.memory_space<hbm>>
      %dma_wait3A_14 = tpu.memref_squeeze %dma_wait3A_13 : memref<1x640x128xf32, #tpu.memory_space<hbm>> -> memref<640x128xf32, #tpu.memory_space<hbm>>
      %dma_wait3A_15 = arith.constant 0 : i32
      %dma_wait3A_16 = tpu.memref_slice %arg10[%mul3A_2, %dma_wait3A_15] : memref<10240x128xf32, #tpu.memory_space<vmem_shared>> -> memref<640x128xf32, #tpu.memory_space<vmem_shared>>
      tpu.wait_dma2 semaphore(%run_scoped3A : memref<!tpu.dma_semaphore, #tpu.memory_space<semaphore_mem>>) src(%dma_wait3A_16 : memref<640x128xf32, #tpu.memory_space<vmem_shared>>) dst(%dma_wait3A_14 : memref<640x128xf32, #tpu.memory_space<hbm>>)
      tpu.yield
    }) : () -> ()
    return
  }
}

module attributes {stable_mosaic.version = 14 : i64} {
  func.func @body(%arg0: i32, %arg1: memref<1000x128xf32, #tpu.memory_space<vmem>>, %arg2: memref<1000x128xf32, #tpu.memory_space<vmem>>, %arg3: memref<1000x128xf32, #tpu.memory_space<vmem>>, %arg4: memref<128x128xf32, #tpu.memory_space<vmem>>, %arg5: memref<1x128xf32, #tpu.memory_space<vmem>>, %arg6: memref<128x128xf32, #tpu.memory_space<vmem>>, %arg7: memref<1x128xf32, #tpu.memory_space<vmem>>, %arg8: memref<1x128xf32, #tpu.memory_space<vmem>>, %arg9: memref<1x128xf32, #tpu.memory_space<vmem>>, %arg10: memref<1000x128xf32, #tpu.memory_space<vmem>>, %arg11: memref<2x128xf32, #tpu.memory_space<vmem>>, %arg12: memref<1x128xf32, #tpu.memory_space<vmem>>, %arg13: memref<1x128xf32, #tpu.memory_space<vmem>>) attributes {dimension_semantics = [#tpu.dimension_semantics<arbitrary>], iteration_bounds = array<i64: 10>, scalar_prefetch = 0 : i64, scratch_operands = 2 : i64, tpu.core_type = #tpu.core_type<tc>, window_params = [{transform_indices = @transform_0, window_bounds = array<i64: 1000, 128>}, {transform_indices = @transform_1, window_bounds = array<i64: 1000, 128>}, {transform_indices = @transform_2, window_bounds = array<i64: 1000, 128>}, {pipeline_mode = #tpu.pipeline_mode<synchronous>, transform_indices = @transform_3, window_bounds = array<i64: 128, 128>}, {pipeline_mode = #tpu.pipeline_mode<synchronous>, transform_indices = @transform_4, window_bounds = array<i64: 1, 128>}, {pipeline_mode = #tpu.pipeline_mode<synchronous>, transform_indices = @transform_5, window_bounds = array<i64: 128, 128>}, {pipeline_mode = #tpu.pipeline_mode<synchronous>, transform_indices = @transform_6, window_bounds = array<i64: 1, 128>}, {pipeline_mode = #tpu.pipeline_mode<synchronous>, transform_indices = @transform_7, window_bounds = array<i64: 1, 128>}, {pipeline_mode = #tpu.pipeline_mode<synchronous>, transform_indices = @transform_8, window_bounds = array<i64: 1, 128>}, {transform_indices = @transform_9, window_bounds = array<i64: 1000, 128>}, {pipeline_mode = #tpu.pipeline_mode<synchronous>, transform_indices = @transform_10, window_bounds = array<i64: 2, 128>}]} {
    %get3A = arith.constant 0 : index
    %get3A_0 = arith.constant 0 : index
    %get3A_1 = vector.load %arg1[%get3A, %get3A_0] : memref<1000x128xf32, #tpu.memory_space<vmem>>, vector<1000x128xf32>
    %get3A_2 = arith.constant 0 : index
    %get3A_3 = arith.constant 0 : index
    %get3A_4 = vector.load %arg2[%get3A_2, %get3A_3] : memref<1000x128xf32, #tpu.memory_space<vmem>>, vector<1000x128xf32>
    %add3A = arith.addf %get3A_1, %get3A_4 : vector<1000x128xf32>
    %get3A_5 = arith.constant 0 : index
    %get3A_6 = arith.constant 0 : index
    %get3A_7 = vector.load %arg3[%get3A_5, %get3A_6] : memref<1000x128xf32, #tpu.memory_space<vmem>>, vector<1000x128xf32>
    %add3A_8 = arith.addf %add3A, %get3A_7 : vector<1000x128xf32>
    %convert_element_type3A = arith.truncf %add3A_8 : vector<1000x128xf32> to vector<1000x128xbf16>
    %get3A_9 = arith.constant 0 : index
    %get3A_10 = arith.constant 0 : index
    %get3A_11 = vector.load %arg4[%get3A_9, %get3A_10] : memref<128x128xf32, #tpu.memory_space<vmem>>, vector<128x128xf32>
    %convert_element_type3A_12 = arith.truncf %get3A_11 : vector<128x128xf32> to vector<128x128xbf16>
    %dot_general3A = arith.constant dense<0.000000e+00> : vector<1000x128xf32>
    %dot_general3A_13 = tpu.matmul %convert_element_type3A, %convert_element_type3A_12, %dot_general3A {dimension_numbers = #tpu.dot_dimension_numbers<[1], [0], [0], [1], [0, 0, 1, 1], [], []>, transpose_lhs_hint = false} : vector<1000x128xbf16>, vector<128x128xbf16>, vector<1000x128xf32> -> vector<1000x128xf32>
    %get3A_14 = arith.constant 0 : index
    %get3A_15 = arith.constant 0 : index
    %get3A_16 = vector.load %arg5[%get3A_14, %get3A_15] : memref<1x128xf32, #tpu.memory_space<vmem>>, vector<1x128xf32>
    %add3A_17 = vector.broadcast %get3A_16 : vector<1x128xf32> to vector<1000x128xf32>
    %add3A_18 = arith.addf %dot_general3A_13, %add3A_17 : vector<1000x128xf32>
    %max3A = arith.constant 0.000000e+00 : f32
    %max3A_19 = vector.broadcast %max3A : f32 to vector<1000x128xf32>
    %max3A_20 = arith.maximumf %add3A_18, %max3A_19 : vector<1000x128xf32>
    %convert_element_type3A_21 = arith.truncf %max3A_20 : vector<1000x128xf32> to vector<1000x128xbf16>
    %get3A_22 = arith.constant 0 : index
    %get3A_23 = arith.constant 0 : index
    %get3A_24 = vector.load %arg6[%get3A_22, %get3A_23] : memref<128x128xf32, #tpu.memory_space<vmem>>, vector<128x128xf32>
    %convert_element_type3A_25 = arith.truncf %get3A_24 : vector<128x128xf32> to vector<128x128xbf16>
    %dot_general3A_26 = arith.constant dense<0.000000e+00> : vector<1000x128xf32>
    %dot_general3A_27 = tpu.matmul %convert_element_type3A_21, %convert_element_type3A_25, %dot_general3A_26 {dimension_numbers = #tpu.dot_dimension_numbers<[1], [0], [0], [1], [0, 0, 1, 1], [], []>, transpose_lhs_hint = false} : vector<1000x128xbf16>, vector<128x128xbf16>, vector<1000x128xf32> -> vector<1000x128xf32>
    %get3A_28 = arith.constant 0 : index
    %get3A_29 = arith.constant 0 : index
    %get3A_30 = vector.load %arg7[%get3A_28, %get3A_29] : memref<1x128xf32, #tpu.memory_space<vmem>>, vector<1x128xf32>
    %add3A_31 = vector.broadcast %get3A_30 : vector<1x128xf32> to vector<1000x128xf32>
    %add3A_32 = arith.addf %dot_general3A_27, %add3A_31 : vector<1000x128xf32>
    %swap3A = arith.constant 0 : index
    %swap3A_33 = arith.constant 0 : index
    %swap3A_34 = vector.load %arg10[%swap3A, %swap3A_33] : memref<1000x128xf32, #tpu.memory_space<vmem>>, vector<1000x128xf32>
    tpu.vector_store %arg10[%swap3A, %swap3A_33], %add3A_32 {strides = array<i32>} : memref<1000x128xf32, #tpu.memory_space<vmem>>, vector<1000x128xf32>,
    %eq3A = arith.constant 0 : i32
    %eq3A_35 = arith.cmpi eq, %arg0, %eq3A : i32
    %convert_element_type3A_36 = arith.extui %eq3A_35 : i1 to i32
    %cond3A = arith.constant 0 : i32
    %cond3A_37 = arith.cmpi ne, %convert_element_type3A_36, %cond3A : i32
    scf.if %cond3A_37 {
      %broadcast_in_dim3A_61 = arith.constant 0.000000e+00 : f32
      %broadcast_in_dim3A_62 = vector.broadcast %broadcast_in_dim3A_61 : f32 to vector<1x128xf32>
      %swap3A_63 = arith.constant 0 : index
      %swap3A_64 = arith.constant 0 : index
      %swap3A_65 = vector.load %arg12[%swap3A_63, %swap3A_64] : memref<1x128xf32, #tpu.memory_space<vmem>>, vector<1x128xf32>
      tpu.vector_store %arg12[%swap3A_63, %swap3A_64], %broadcast_in_dim3A_62 {strides = array<i32>} : memref<1x128xf32, #tpu.memory_space<vmem>>, vector<1x128xf32>,
      %broadcast_in_dim3A_66 = arith.constant 0.000000e+00 : f32
      %broadcast_in_dim3A_67 = vector.broadcast %broadcast_in_dim3A_66 : f32 to vector<1x128xf32>
      %swap3A_68 = arith.constant 0 : index
      %swap3A_69 = arith.constant 0 : index
      %swap3A_70 = vector.load %arg13[%swap3A_68, %swap3A_69] : memref<1x128xf32, #tpu.memory_space<vmem>>, vector<1x128xf32>
      tpu.vector_store %arg13[%swap3A_68, %swap3A_69], %broadcast_in_dim3A_67 {strides = array<i32>} : memref<1x128xf32, #tpu.memory_space<vmem>>, vector<1x128xf32>,
    } else {
    }
    %get3A_38 = arith.constant 0 : index
    %get3A_39 = arith.constant 0 : index
    %get3A_40 = vector.load %arg12[%get3A_38, %get3A_39] : memref<1x128xf32, #tpu.memory_space<vmem>>, vector<1x128xf32>
    %reduce_sum3A = arith.constant dense<0.000000e+00> : vector<128xf32>
    %reduce_sum3A_41 = vector.multi_reduction <add>, %add3A_32, %reduce_sum3A [0] : vector<1000x128xf32> to vector<128xf32>
    %broadcast_in_dim3A = vector.shape_cast %reduce_sum3A_41 : vector<128xf32> to vector<1x128xf32>
    %add3A_42 = arith.addf %get3A_40, %broadcast_in_dim3A : vector<1x128xf32>
    %swap3A_43 = arith.constant 0 : index
    %swap3A_44 = arith.constant 0 : index
    %swap3A_45 = vector.load %arg12[%swap3A_43, %swap3A_44] : memref<1x128xf32, #tpu.memory_space<vmem>>, vector<1x128xf32>
    tpu.vector_store %arg12[%swap3A_43, %swap3A_44], %add3A_42 {strides = array<i32>} : memref<1x128xf32, #tpu.memory_space<vmem>>, vector<1x128xf32>,
    %get3A_46 = arith.constant 0 : index
    %get3A_47 = arith.constant 0 : index
    %get3A_48 = vector.load %arg13[%get3A_46, %get3A_47] : memref<1x128xf32, #tpu.memory_space<vmem>>, vector<1x128xf32>
    %mul3A = arith.mulf %add3A_32, %add3A_32 : vector<1000x128xf32>
    %reduce_sum3A_49 = arith.constant dense<0.000000e+00> : vector<128xf32>
    %reduce_sum3A_50 = vector.multi_reduction <add>, %mul3A, %reduce_sum3A_49 [0] : vector<1000x128xf32> to vector<128xf32>
    %broadcast_in_dim3A_51 = vector.shape_cast %reduce_sum3A_50 : vector<128xf32> to vector<1x128xf32>
    %add3A_52 = arith.addf %get3A_48, %broadcast_in_dim3A_51 : vector<1x128xf32>
    %swap3A_53 = arith.constant 0 : index
    %swap3A_54 = arith.constant 0 : index
    %swap3A_55 = vector.load %arg13[%swap3A_53, %swap3A_54] : memref<1x128xf32, #tpu.memory_space<vmem>>, vector<1x128xf32>
    tpu.vector_store %arg13[%swap3A_53, %swap3A_54], %add3A_52 {strides = array<i32>} : memref<1x128xf32, #tpu.memory_space<vmem>>, vector<1x128xf32>,
    %eq3A_56 = arith.constant 9 : i32
    %eq3A_57 = arith.cmpi eq, %arg0, %eq3A_56 : i32
    %convert_element_type3A_58 = arith.extui %eq3A_57 : i1 to i32
    %cond3A_59 = arith.constant 0 : i32
    %cond3A_60 = arith.cmpi ne, %convert_element_type3A_58, %cond3A_59 : i32
    scf.if %cond3A_60 {
      %get3A_61 = arith.constant 0 : index
      %get3A_62 = arith.constant 0 : index
      %get3A_63 = vector.load %arg12[%get3A_61, %get3A_62] : memref<1x128xf32, #tpu.memory_space<vmem>>, vector<1x128xf32>
      %div3A = arith.constant 1.000000e+04 : f32
      %div3A_64 = vector.broadcast %div3A : f32 to vector<1x128xf32>
      %div3A_65 = arith.divf %get3A_63, %div3A_64 : vector<1x128xf32>
      %get3A_66 = arith.constant 0 : index
      %get3A_67 = arith.constant 0 : index
      %get3A_68 = vector.load %arg13[%get3A_66, %get3A_67] : memref<1x128xf32, #tpu.memory_space<vmem>>, vector<1x128xf32>
      %div3A_69 = arith.constant 1.000000e+04 : f32
      %div3A_70 = vector.broadcast %div3A_69 : f32 to vector<1x128xf32>
      %div3A_71 = arith.divf %get3A_68, %div3A_70 : vector<1x128xf32>
      %mul3A_72 = arith.mulf %div3A_65, %div3A_65 : vector<1x128xf32>
      %sub3A = arith.subf %div3A_71, %mul3A_72 : vector<1x128xf32>
      %get3A_73 = arith.constant 0 : index
      %get3A_74 = arith.constant 0 : index
      %get3A_75 = vector.load %arg8[%get3A_73, %get3A_74] : memref<1x128xf32, #tpu.memory_space<vmem>>, vector<1x128xf32>
      %add3A_76 = arith.constant 9.99999974E-6 : f32
      %add3A_77 = vector.broadcast %add3A_76 : f32 to vector<1x128xf32>
      %add3A_78 = arith.addf %sub3A, %add3A_77 : vector<1x128xf32>
      %sqrt3A = math.sqrt %add3A_78 : vector<1x128xf32>
      %div3A_79 = arith.divf %get3A_75, %sqrt3A : vector<1x128xf32>
      %swap3A_80 = arith.constant 0 : index
      %swap3A_81 = arith.constant 0 : index
      %swap3A_82 = vector.load %arg11[%swap3A_80, %swap3A_81] : memref<2x128xf32, #tpu.memory_space<vmem>>, vector<1x128xf32>
      tpu.vector_store %arg11[%swap3A_80, %swap3A_81], %div3A_79 {strides = array<i32>} : memref<2x128xf32, #tpu.memory_space<vmem>>, vector<1x128xf32>,
      %get3A_83 = arith.constant 0 : index
      %get3A_84 = arith.constant 0 : index
      %get3A_85 = vector.load %arg9[%get3A_83, %get3A_84] : memref<1x128xf32, #tpu.memory_space<vmem>>, vector<1x128xf32>
      %mul3A_86 = arith.mulf %div3A_65, %div3A_79 : vector<1x128xf32>
      %sub3A_87 = arith.subf %get3A_85, %mul3A_86 : vector<1x128xf32>
      %swap3A_88 = arith.constant 1 : index
      %swap3A_89 = arith.constant 0 : index
      %swap3A_90 = vector.load %arg11[%swap3A_88, %swap3A_89] : memref<2x128xf32, #tpu.memory_space<vmem>>, vector<1x128xf32>
      tpu.vector_store %arg11[%swap3A_88, %swap3A_89], %sub3A_87 {strides = array<i32>} : memref<2x128xf32, #tpu.memory_space<vmem>>, vector<1x128xf32>,
    } else {
    }
    return
  }
  func.func @transform_0(%arg0: i32) -> (i32, i32) {
    %c0_i32 = arith.constant 0 : i32
    %c0_i32_0 = arith.constant 0 : i32
    return %arg0, %c0_i32 : i32, i32
  }
  func.func @transform_1(%arg0: i32) -> (i32, i32) {
    %c0_i32 = arith.constant 0 : i32
    %c0_i32_0 = arith.constant 0 : i32
    return %arg0, %c0_i32 : i32, i32
  }
  func.func @transform_2(%arg0: i32) -> (i32, i32) {
    %c0_i32 = arith.constant 0 : i32
    %c0_i32_0 = arith.constant 0 : i32
    return %arg0, %c0_i32 : i32, i32
  }
  func.func @transform_3(%arg0: i32) -> (i32, i32) {
    %c0_i32 = arith.constant 0 : i32
    %c0_i32_0 = arith.constant 0 : i32
    %c0_i32_1 = arith.constant 0 : i32
    return %c0_i32, %c0_i32_0 : i32, i32
  }
  func.func @transform_4(%arg0: i32) -> (i32, i32) {
    %c0_i32 = arith.constant 0 : i32
    %c0_i32_0 = arith.constant 0 : i32
    %c0_i32_1 = arith.constant 0 : i32
    return %c0_i32, %c0_i32_0 : i32, i32
  }
  func.func @transform_5(%arg0: i32) -> (i32, i32) {
    %c0_i32 = arith.constant 0 : i32
    %c0_i32_0 = arith.constant 0 : i32
    %c0_i32_1 = arith.constant 0 : i32
    return %c0_i32, %c0_i32_0 : i32, i32
  }
  func.func @transform_6(%arg0: i32) -> (i32, i32) {
    %c0_i32 = arith.constant 0 : i32
    %c0_i32_0 = arith.constant 0 : i32
    %c0_i32_1 = arith.constant 0 : i32
    return %c0_i32, %c0_i32_0 : i32, i32
  }
  func.func @transform_7(%arg0: i32) -> (i32, i32) {
    %c0_i32 = arith.constant 0 : i32
    %c0_i32_0 = arith.constant 0 : i32
    %c0_i32_1 = arith.constant 0 : i32
    return %c0_i32, %c0_i32_0 : i32, i32
  }
  func.func @transform_8(%arg0: i32) -> (i32, i32) {
    %c0_i32 = arith.constant 0 : i32
    %c0_i32_0 = arith.constant 0 : i32
    %c0_i32_1 = arith.constant 0 : i32
    return %c0_i32, %c0_i32_0 : i32, i32
  }
  func.func @transform_9(%arg0: i32) -> (i32, i32) {
    %c0_i32 = arith.constant 0 : i32
    %c0_i32_0 = arith.constant 0 : i32
    return %arg0, %c0_i32 : i32, i32
  }
  func.func @transform_10(%arg0: i32) -> (i32, i32) {
    %c0_i32 = arith.constant 0 : i32
    %c0_i32_0 = arith.constant 0 : i32
    %c0_i32_1 = arith.constant 0 : i32
    return %c0_i32, %c0_i32_0 : i32, i32
  }
}

module attributes {stable_mosaic.version = 14 : i64} {
  func.func @body(%arg0: i32, %arg1: memref<1000x128xf32, #tpu.memory_space<vmem>>, %arg2: memref<2x128xf32, #tpu.memory_space<vmem>>, %arg3: memref<1x1x1000xi32, #tpu.memory_space<vmem>>, %arg4: memref<1000x128xf32, #tpu.memory_space<vmem>>, %arg5: memref<64x128xf32, #tpu.memory_space<vmem>>, %arg6: memref<64x128xf32, #tpu.memory_space<vmem>>) attributes {dimension_semantics = [#tpu.dimension_semantics<arbitrary>], iteration_bounds = array<i64: 10>, scalar_prefetch = 0 : i64, scratch_operands = 1 : i64, tpu.core_type = #tpu.core_type<tc>, window_params = [{transform_indices = @transform_0, window_bounds = array<i64: 1000, 128>}, {pipeline_mode = #tpu.pipeline_mode<synchronous>, transform_indices = @transform_1, window_bounds = array<i64: 2, 128>}, {transform_indices = @transform_2, window_bounds = array<i64: 1, 1, 1000>}, {transform_indices = @transform_3, window_bounds = array<i64: 1000, 128>}, {pipeline_mode = #tpu.pipeline_mode<synchronous>, transform_indices = @transform_4, window_bounds = array<i64: 64, 128>}]} {
    %get3A = arith.constant 0 : index
    %get3A_0 = arith.constant 0 : index
    %get3A_1 = vector.load %arg1[%get3A, %get3A_0] : memref<1000x128xf32, #tpu.memory_space<vmem>>, vector<1000x128xf32>
    %get3A_2 = arith.constant 0 : index
    %get3A_3 = arith.constant 0 : index
    %get3A_4 = vector.load %arg2[%get3A_2, %get3A_3] : memref<2x128xf32, #tpu.memory_space<vmem>>, vector<1x128xf32>
    %mul3A = vector.broadcast %get3A_4 : vector<1x128xf32> to vector<1000x128xf32>
    %mul3A_5 = arith.mulf %get3A_1, %mul3A : vector<1000x128xf32>
    %get3A_6 = arith.constant 1 : index
    %get3A_7 = arith.constant 0 : index
    %get3A_8 = vector.load %arg2[%get3A_6, %get3A_7] : memref<2x128xf32, #tpu.memory_space<vmem>>, vector<1x128xf32>
    %add3A = vector.broadcast %get3A_8 : vector<1x128xf32> to vector<1000x128xf32>
    %add3A_9 = arith.addf %mul3A_5, %add3A : vector<1000x128xf32>
    %max3A = arith.constant 0.000000e+00 : f32
    %max3A_10 = vector.broadcast %max3A : f32 to vector<1000x128xf32>
    %max3A_11 = arith.maximumf %add3A_9, %max3A_10 : vector<1000x128xf32>
    %swap3A = arith.constant 0 : index
    %swap3A_12 = arith.constant 0 : index
    %swap3A_13 = vector.load %arg4[%swap3A, %swap3A_12] : memref<1000x128xf32, #tpu.memory_space<vmem>>, vector<1000x128xf32>
    tpu.vector_store %arg4[%swap3A, %swap3A_12], %max3A_11 {strides = array<i32>} : memref<1000x128xf32, #tpu.memory_space<vmem>>, vector<1000x128xf32>,
    %get3A_14 = arith.constant 0 : index
    %get3A_15 = arith.constant 0 : index
    %get3A_16 = arith.constant 0 : index
    %get3A_17 = vector.load %arg3[%get3A_14, %get3A_15, %get3A_16] : memref<1x1x1000xi32, #tpu.memory_space<vmem>>, vector<1x1x1000xi32>
    %get3A_18 = vector.shape_cast %get3A_17 : vector<1x1x1000xi32> to vector<1x1000xi32>
    %iota3A = tpu.iota {dimensions = array<i32: 0>} : vector<64x1000xi32>
    %eq3A = vector.broadcast %get3A_18 : vector<1x1000xi32> to vector<64x1000xi32>
    %eq3A_19 = arith.cmpi eq, %iota3A, %eq3A : vector<64x1000xi32>
    %convert_element_type3A = arith.extui %eq3A_19 : vector<64x1000xi1> to vector<64x1000xi32>
    %convert_element_type3A_20 = arith.sitofp %convert_element_type3A : vector<64x1000xi32> to vector<64x1000xf32>
    %eq3A_21 = arith.constant 0 : i32
    %eq3A_22 = arith.cmpi eq, %arg0, %eq3A_21 : i32
    %convert_element_type3A_23 = arith.extui %eq3A_22 : i1 to i32
    %cond3A = arith.constant 0 : i32
    %cond3A_24 = arith.cmpi ne, %convert_element_type3A_23, %cond3A : i32
    scf.if %cond3A_24 {
      %broadcast_in_dim3A = arith.constant 0.000000e+00 : f32
      %broadcast_in_dim3A_38 = vector.broadcast %broadcast_in_dim3A : f32 to vector<64x128xf32>
      %swap3A_39 = arith.constant 0 : index
      %swap3A_40 = arith.constant 0 : index
      %swap3A_41 = vector.load %arg6[%swap3A_39, %swap3A_40] : memref<64x128xf32, #tpu.memory_space<vmem>>, vector<64x128xf32>
      tpu.vector_store %arg6[%swap3A_39, %swap3A_40], %broadcast_in_dim3A_38 {strides = array<i32>} : memref<64x128xf32, #tpu.memory_space<vmem>>, vector<64x128xf32>,
    } else {
    }
    %get3A_25 = arith.constant 0 : index
    %get3A_26 = arith.constant 0 : index
    %get3A_27 = vector.load %arg6[%get3A_25, %get3A_26] : memref<64x128xf32, #tpu.memory_space<vmem>>, vector<64x128xf32>
    %dot_general3A = arith.constant dense<0.000000e+00> : vector<64x128xf32>
    %dot_general3A_28 = tpu.matmul %convert_element_type3A_20, %max3A_11, %dot_general3A {dimension_numbers = #tpu.dot_dimension_numbers<[1], [0], [0], [1], [0, 0, 1, 1], [], []>, precision = #tpu.contract_precision<fp32>, transpose_lhs_hint = false} : vector<64x1000xf32>, vector<1000x128xf32>, vector<64x128xf32> -> vector<64x128xf32>
    %add3A_29 = arith.addf %get3A_27, %dot_general3A_28 : vector<64x128xf32>
    %swap3A_30 = arith.constant 0 : index
    %swap3A_31 = arith.constant 0 : index
    %swap3A_32 = vector.load %arg6[%swap3A_30, %swap3A_31] : memref<64x128xf32, #tpu.memory_space<vmem>>, vector<64x128xf32>
    tpu.vector_store %arg6[%swap3A_30, %swap3A_31], %add3A_29 {strides = array<i32>} : memref<64x128xf32, #tpu.memory_space<vmem>>, vector<64x128xf32>,
    %eq3A_33 = arith.constant 9 : i32
    %eq3A_34 = arith.cmpi eq, %arg0, %eq3A_33 : i32
    %convert_element_type3A_35 = arith.extui %eq3A_34 : i1 to i32
    %cond3A_36 = arith.constant 0 : i32
    %cond3A_37 = arith.cmpi ne, %convert_element_type3A_35, %cond3A_36 : i32
    scf.if %cond3A_37 {
      %get3A_38 = arith.constant 0 : index
      %get3A_39 = arith.constant 0 : index
      %get3A_40 = vector.load %arg6[%get3A_38, %get3A_39] : memref<64x128xf32, #tpu.memory_space<vmem>>, vector<64x128xf32>
      %swap3A_41 = arith.constant 0 : index
      %swap3A_42 = arith.constant 0 : index
      %swap3A_43 = vector.load %arg5[%swap3A_41, %swap3A_42] : memref<64x128xf32, #tpu.memory_space<vmem>>, vector<64x128xf32>
      tpu.vector_store %arg5[%swap3A_41, %swap3A_42], %get3A_40 {strides = array<i32>} : memref<64x128xf32, #tpu.memory_space<vmem>>, vector<64x128xf32>,
    } else {
    }
    return
  }
  func.func @transform_0(%arg0: i32) -> (i32, i32) {
    %c0_i32 = arith.constant 0 : i32
    %c0_i32_0 = arith.constant 0 : i32
    return %arg0, %c0_i32 : i32, i32
  }
  func.func @transform_1(%arg0: i32) -> (i32, i32) {
    %c0_i32 = arith.constant 0 : i32
    %c0_i32_0 = arith.constant 0 : i32
    %c0_i32_1 = arith.constant 0 : i32
    return %c0_i32, %c0_i32_0 : i32, i32
  }
  func.func @transform_2(%arg0: i32) -> (i32, i32, i32) {
    %c0_i32 = arith.constant 0 : i32
    %c0_i32_0 = arith.constant 0 : i32
    %c0_i32_1 = arith.constant 0 : i32
    return %arg0, %c0_i32, %c0_i32_0 : i32, i32, i32
  }
  func.func @transform_3(%arg0: i32) -> (i32, i32) {
    %c0_i32 = arith.constant 0 : i32
    %c0_i32_0 = arith.constant 0 : i32
    return %arg0, %c0_i32 : i32, i32
  }
  func.func @transform_4(%arg0: i32) -> (i32, i32) {
    %c0_i32 = arith.constant 0 : i32
    %c0_i32_0 = arith.constant 0 : i32
    %c0_i32_1 = arith.constant 0 : i32
    return %c0_i32, %c0_i32_0 : i32, i32
  }
}

module attributes {stable_mosaic.version = 14 : i64} {
  func.func @body(%arg0: i32, %arg1: memref<1000x128xf32, #tpu.memory_space<vmem>>, %arg2: memref<1000x128xf32, #tpu.memory_space<vmem>>, %arg3: memref<1000x128xf32, #tpu.memory_space<vmem>>, %arg4: memref<128x512xf32, #tpu.memory_space<vmem>>, %arg5: memref<1x512xf32, #tpu.memory_space<vmem>>, %arg6: memref<512x512xf32, #tpu.memory_space<vmem>>, %arg7: memref<1x512xf32, #tpu.memory_space<vmem>>, %arg8: memref<1x512xf32, #tpu.memory_space<vmem>>, %arg9: memref<1x512xf32, #tpu.memory_space<vmem>>, %arg10: memref<1000x512xf32, #tpu.memory_space<vmem>>, %arg11: memref<2x512xf32, #tpu.memory_space<vmem>>, %arg12: memref<1x512xf32, #tpu.memory_space<vmem>>, %arg13: memref<1x512xf32, #tpu.memory_space<vmem>>) attributes {dimension_semantics = [#tpu.dimension_semantics<arbitrary>], iteration_bounds = array<i64: 10>, scalar_prefetch = 0 : i64, scratch_operands = 2 : i64, tpu.core_type = #tpu.core_type<tc>, window_params = [{transform_indices = @transform_0, window_bounds = array<i64: 1000, 128>}, {transform_indices = @transform_1, window_bounds = array<i64: 1000, 128>}, {transform_indices = @transform_2, window_bounds = array<i64: 1000, 128>}, {pipeline_mode = #tpu.pipeline_mode<synchronous>, transform_indices = @transform_3, window_bounds = array<i64: 128, 512>}, {pipeline_mode = #tpu.pipeline_mode<synchronous>, transform_indices = @transform_4, window_bounds = array<i64: 1, 512>}, {pipeline_mode = #tpu.pipeline_mode<synchronous>, transform_indices = @transform_5, window_bounds = array<i64: 512, 512>}, {pipeline_mode = #tpu.pipeline_mode<synchronous>, transform_indices = @transform_6, window_bounds = array<i64: 1, 512>}, {pipeline_mode = #tpu.pipeline_mode<synchronous>, transform_indices = @transform_7, window_bounds = array<i64: 1, 512>}, {pipeline_mode = #tpu.pipeline_mode<synchronous>, transform_indices = @transform_8, window_bounds = array<i64: 1, 512>}, {transform_indices = @transform_9, window_bounds = array<i64: 1000, 512>}, {pipeline_mode = #tpu.pipeline_mode<synchronous>, transform_indices = @transform_10, window_bounds = array<i64: 2, 512>}]} {
    %get3A = arith.constant 0 : index
    %get3A_0 = arith.constant 0 : index
    %get3A_1 = vector.load %arg1[%get3A, %get3A_0] : memref<1000x128xf32, #tpu.memory_space<vmem>>, vector<1000x128xf32>
    %get3A_2 = arith.constant 0 : index
    %get3A_3 = arith.constant 0 : index
    %get3A_4 = vector.load %arg2[%get3A_2, %get3A_3] : memref<1000x128xf32, #tpu.memory_space<vmem>>, vector<1000x128xf32>
    %add3A = arith.addf %get3A_1, %get3A_4 : vector<1000x128xf32>
    %get3A_5 = arith.constant 0 : index
    %get3A_6 = arith.constant 0 : index
    %get3A_7 = vector.load %arg3[%get3A_5, %get3A_6] : memref<1000x128xf32, #tpu.memory_space<vmem>>, vector<1000x128xf32>
    %add3A_8 = arith.addf %add3A, %get3A_7 : vector<1000x128xf32>
    %convert_element_type3A = arith.truncf %add3A_8 : vector<1000x128xf32> to vector<1000x128xbf16>
    %get3A_9 = arith.constant 0 : index
    %get3A_10 = arith.constant 0 : index
    %get3A_11 = vector.load %arg4[%get3A_9, %get3A_10] : memref<128x512xf32, #tpu.memory_space<vmem>>, vector<128x512xf32>
    %convert_element_type3A_12 = arith.truncf %get3A_11 : vector<128x512xf32> to vector<128x512xbf16>
    %dot_general3A = arith.constant dense<0.000000e+00> : vector<1000x512xf32>
    %dot_general3A_13 = tpu.matmul %convert_element_type3A, %convert_element_type3A_12, %dot_general3A {dimension_numbers = #tpu.dot_dimension_numbers<[1], [0], [0], [1], [0, 0, 1, 1], [], []>, transpose_lhs_hint = false} : vector<1000x128xbf16>, vector<128x512xbf16>, vector<1000x512xf32> -> vector<1000x512xf32>
    %get3A_14 = arith.constant 0 : index
    %get3A_15 = arith.constant 0 : index
    %get3A_16 = vector.load %arg5[%get3A_14, %get3A_15] : memref<1x512xf32, #tpu.memory_space<vmem>>, vector<1x512xf32>
    %add3A_17 = vector.broadcast %get3A_16 : vector<1x512xf32> to vector<1000x512xf32>
    %add3A_18 = arith.addf %dot_general3A_13, %add3A_17 : vector<1000x512xf32>
    %max3A = arith.constant 0.000000e+00 : f32
    %max3A_19 = vector.broadcast %max3A : f32 to vector<1000x512xf32>
    %max3A_20 = arith.maximumf %add3A_18, %max3A_19 : vector<1000x512xf32>
    %convert_element_type3A_21 = arith.truncf %max3A_20 : vector<1000x512xf32> to vector<1000x512xbf16>
    %get3A_22 = arith.constant 0 : index
    %get3A_23 = arith.constant 0 : index
    %get3A_24 = vector.load %arg6[%get3A_22, %get3A_23] : memref<512x512xf32, #tpu.memory_space<vmem>>, vector<512x512xf32>
    %convert_element_type3A_25 = arith.truncf %get3A_24 : vector<512x512xf32> to vector<512x512xbf16>
    %dot_general3A_26 = arith.constant dense<0.000000e+00> : vector<1000x512xf32>
    %dot_general3A_27 = tpu.matmul %convert_element_type3A_21, %convert_element_type3A_25, %dot_general3A_26 {dimension_numbers = #tpu.dot_dimension_numbers<[1], [0], [0], [1], [0, 0, 1, 1], [], []>, transpose_lhs_hint = false} : vector<1000x512xbf16>, vector<512x512xbf16>, vector<1000x512xf32> -> vector<1000x512xf32>
    %get3A_28 = arith.constant 0 : index
    %get3A_29 = arith.constant 0 : index
    %get3A_30 = vector.load %arg7[%get3A_28, %get3A_29] : memref<1x512xf32, #tpu.memory_space<vmem>>, vector<1x512xf32>
    %add3A_31 = vector.broadcast %get3A_30 : vector<1x512xf32> to vector<1000x512xf32>
    %add3A_32 = arith.addf %dot_general3A_27, %add3A_31 : vector<1000x512xf32>
    %swap3A = arith.constant 0 : index
    %swap3A_33 = arith.constant 0 : index
    %swap3A_34 = vector.load %arg10[%swap3A, %swap3A_33] : memref<1000x512xf32, #tpu.memory_space<vmem>>, vector<1000x512xf32>
    tpu.vector_store %arg10[%swap3A, %swap3A_33], %add3A_32 {strides = array<i32>} : memref<1000x512xf32, #tpu.memory_space<vmem>>, vector<1000x512xf32>,
    %eq3A = arith.constant 0 : i32
    %eq3A_35 = arith.cmpi eq, %arg0, %eq3A : i32
    %convert_element_type3A_36 = arith.extui %eq3A_35 : i1 to i32
    %cond3A = arith.constant 0 : i32
    %cond3A_37 = arith.cmpi ne, %convert_element_type3A_36, %cond3A : i32
    scf.if %cond3A_37 {
      %broadcast_in_dim3A_61 = arith.constant 0.000000e+00 : f32
      %broadcast_in_dim3A_62 = vector.broadcast %broadcast_in_dim3A_61 : f32 to vector<1x512xf32>
      %swap3A_63 = arith.constant 0 : index
      %swap3A_64 = arith.constant 0 : index
      %swap3A_65 = vector.load %arg12[%swap3A_63, %swap3A_64] : memref<1x512xf32, #tpu.memory_space<vmem>>, vector<1x512xf32>
      tpu.vector_store %arg12[%swap3A_63, %swap3A_64], %broadcast_in_dim3A_62 {strides = array<i32>} : memref<1x512xf32, #tpu.memory_space<vmem>>, vector<1x512xf32>,
      %broadcast_in_dim3A_66 = arith.constant 0.000000e+00 : f32
      %broadcast_in_dim3A_67 = vector.broadcast %broadcast_in_dim3A_66 : f32 to vector<1x512xf32>
      %swap3A_68 = arith.constant 0 : index
      %swap3A_69 = arith.constant 0 : index
      %swap3A_70 = vector.load %arg13[%swap3A_68, %swap3A_69] : memref<1x512xf32, #tpu.memory_space<vmem>>, vector<1x512xf32>
      tpu.vector_store %arg13[%swap3A_68, %swap3A_69], %broadcast_in_dim3A_67 {strides = array<i32>} : memref<1x512xf32, #tpu.memory_space<vmem>>, vector<1x512xf32>,
    } else {
    }
    %get3A_38 = arith.constant 0 : index
    %get3A_39 = arith.constant 0 : index
    %get3A_40 = vector.load %arg12[%get3A_38, %get3A_39] : memref<1x512xf32, #tpu.memory_space<vmem>>, vector<1x512xf32>
    %reduce_sum3A = arith.constant dense<0.000000e+00> : vector<512xf32>
    %reduce_sum3A_41 = vector.multi_reduction <add>, %add3A_32, %reduce_sum3A [0] : vector<1000x512xf32> to vector<512xf32>
    %broadcast_in_dim3A = vector.shape_cast %reduce_sum3A_41 : vector<512xf32> to vector<1x512xf32>
    %add3A_42 = arith.addf %get3A_40, %broadcast_in_dim3A : vector<1x512xf32>
    %swap3A_43 = arith.constant 0 : index
    %swap3A_44 = arith.constant 0 : index
    %swap3A_45 = vector.load %arg12[%swap3A_43, %swap3A_44] : memref<1x512xf32, #tpu.memory_space<vmem>>, vector<1x512xf32>
    tpu.vector_store %arg12[%swap3A_43, %swap3A_44], %add3A_42 {strides = array<i32>} : memref<1x512xf32, #tpu.memory_space<vmem>>, vector<1x512xf32>,
    %get3A_46 = arith.constant 0 : index
    %get3A_47 = arith.constant 0 : index
    %get3A_48 = vector.load %arg13[%get3A_46, %get3A_47] : memref<1x512xf32, #tpu.memory_space<vmem>>, vector<1x512xf32>
    %mul3A = arith.mulf %add3A_32, %add3A_32 : vector<1000x512xf32>
    %reduce_sum3A_49 = arith.constant dense<0.000000e+00> : vector<512xf32>
    %reduce_sum3A_50 = vector.multi_reduction <add>, %mul3A, %reduce_sum3A_49 [0] : vector<1000x512xf32> to vector<512xf32>
    %broadcast_in_dim3A_51 = vector.shape_cast %reduce_sum3A_50 : vector<512xf32> to vector<1x512xf32>
    %add3A_52 = arith.addf %get3A_48, %broadcast_in_dim3A_51 : vector<1x512xf32>
    %swap3A_53 = arith.constant 0 : index
    %swap3A_54 = arith.constant 0 : index
    %swap3A_55 = vector.load %arg13[%swap3A_53, %swap3A_54] : memref<1x512xf32, #tpu.memory_space<vmem>>, vector<1x512xf32>
    tpu.vector_store %arg13[%swap3A_53, %swap3A_54], %add3A_52 {strides = array<i32>} : memref<1x512xf32, #tpu.memory_space<vmem>>, vector<1x512xf32>,
    %eq3A_56 = arith.constant 9 : i32
    %eq3A_57 = arith.cmpi eq, %arg0, %eq3A_56 : i32
    %convert_element_type3A_58 = arith.extui %eq3A_57 : i1 to i32
    %cond3A_59 = arith.constant 0 : i32
    %cond3A_60 = arith.cmpi ne, %convert_element_type3A_58, %cond3A_59 : i32
    scf.if %cond3A_60 {
      %get3A_61 = arith.constant 0 : index
      %get3A_62 = arith.constant 0 : index
      %get3A_63 = vector.load %arg12[%get3A_61, %get3A_62] : memref<1x512xf32, #tpu.memory_space<vmem>>, vector<1x512xf32>
      %div3A = arith.constant 1.000000e+04 : f32
      %div3A_64 = vector.broadcast %div3A : f32 to vector<1x512xf32>
      %div3A_65 = arith.divf %get3A_63, %div3A_64 : vector<1x512xf32>
      %get3A_66 = arith.constant 0 : index
      %get3A_67 = arith.constant 0 : index
      %get3A_68 = vector.load %arg13[%get3A_66, %get3A_67] : memref<1x512xf32, #tpu.memory_space<vmem>>, vector<1x512xf32>
      %div3A_69 = arith.constant 1.000000e+04 : f32
      %div3A_70 = vector.broadcast %div3A_69 : f32 to vector<1x512xf32>
      %div3A_71 = arith.divf %get3A_68, %div3A_70 : vector<1x512xf32>
      %mul3A_72 = arith.mulf %div3A_65, %div3A_65 : vector<1x512xf32>
      %sub3A = arith.subf %div3A_71, %mul3A_72 : vector<1x512xf32>
      %get3A_73 = arith.constant 0 : index
      %get3A_74 = arith.constant 0 : index
      %get3A_75 = vector.load %arg8[%get3A_73, %get3A_74] : memref<1x512xf32, #tpu.memory_space<vmem>>, vector<1x512xf32>
      %add3A_76 = arith.constant 9.99999974E-6 : f32
      %add3A_77 = vector.broadcast %add3A_76 : f32 to vector<1x512xf32>
      %add3A_78 = arith.addf %sub3A, %add3A_77 : vector<1x512xf32>
      %sqrt3A = math.sqrt %add3A_78 : vector<1x512xf32>
      %div3A_79 = arith.divf %get3A_75, %sqrt3A : vector<1x512xf32>
      %swap3A_80 = arith.constant 0 : index
      %swap3A_81 = arith.constant 0 : index
      %swap3A_82 = vector.load %arg11[%swap3A_80, %swap3A_81] : memref<2x512xf32, #tpu.memory_space<vmem>>, vector<1x512xf32>
      tpu.vector_store %arg11[%swap3A_80, %swap3A_81], %div3A_79 {strides = array<i32>} : memref<2x512xf32, #tpu.memory_space<vmem>>, vector<1x512xf32>,
      %get3A_83 = arith.constant 0 : index
      %get3A_84 = arith.constant 0 : index
      %get3A_85 = vector.load %arg9[%get3A_83, %get3A_84] : memref<1x512xf32, #tpu.memory_space<vmem>>, vector<1x512xf32>
      %mul3A_86 = arith.mulf %div3A_65, %div3A_79 : vector<1x512xf32>
      %sub3A_87 = arith.subf %get3A_85, %mul3A_86 : vector<1x512xf32>
      %swap3A_88 = arith.constant 1 : index
      %swap3A_89 = arith.constant 0 : index
      %swap3A_90 = vector.load %arg11[%swap3A_88, %swap3A_89] : memref<2x512xf32, #tpu.memory_space<vmem>>, vector<1x512xf32>
      tpu.vector_store %arg11[%swap3A_88, %swap3A_89], %sub3A_87 {strides = array<i32>} : memref<2x512xf32, #tpu.memory_space<vmem>>, vector<1x512xf32>,
    } else {
    }
    return
  }
  func.func @transform_0(%arg0: i32) -> (i32, i32) {
    %c0_i32 = arith.constant 0 : i32
    %c0_i32_0 = arith.constant 0 : i32
    return %arg0, %c0_i32 : i32, i32
  }
  func.func @transform_1(%arg0: i32) -> (i32, i32) {
    %c0_i32 = arith.constant 0 : i32
    %c0_i32_0 = arith.constant 0 : i32
    return %arg0, %c0_i32 : i32, i32
  }
  func.func @transform_2(%arg0: i32) -> (i32, i32) {
    %c0_i32 = arith.constant 0 : i32
    %c0_i32_0 = arith.constant 0 : i32
    return %arg0, %c0_i32 : i32, i32
  }
  func.func @transform_3(%arg0: i32) -> (i32, i32) {
    %c0_i32 = arith.constant 0 : i32
    %c0_i32_0 = arith.constant 0 : i32
    %c0_i32_1 = arith.constant 0 : i32
    return %c0_i32, %c0_i32_0 : i32, i32
  }
  func.func @transform_4(%arg0: i32) -> (i32, i32) {
    %c0_i32 = arith.constant 0 : i32
    %c0_i32_0 = arith.constant 0 : i32
    %c0_i32_1 = arith.constant 0 : i32
    return %c0_i32, %c0_i32_0 : i32, i32
  }
  func.func @transform_5(%arg0: i32) -> (i32, i32) {
    %c0_i32 = arith.constant 0 : i32
    %c0_i32_0 = arith.constant 0 : i32
    %c0_i32_1 = arith.constant 0 : i32
    return %c0_i32, %c0_i32_0 : i32, i32
  }
  func.func @transform_6(%arg0: i32) -> (i32, i32) {
    %c0_i32 = arith.constant 0 : i32
    %c0_i32_0 = arith.constant 0 : i32
    %c0_i32_1 = arith.constant 0 : i32
    return %c0_i32, %c0_i32_0 : i32, i32
  }
  func.func @transform_7(%arg0: i32) -> (i32, i32) {
    %c0_i32 = arith.constant 0 : i32
    %c0_i32_0 = arith.constant 0 : i32
    %c0_i32_1 = arith.constant 0 : i32
    return %c0_i32, %c0_i32_0 : i32, i32
  }
  func.func @transform_8(%arg0: i32) -> (i32, i32) {
    %c0_i32 = arith.constant 0 : i32
    %c0_i32_0 = arith.constant 0 : i32
    %c0_i32_1 = arith.constant 0 : i32
    return %c0_i32, %c0_i32_0 : i32, i32
  }
  func.func @transform_9(%arg0: i32) -> (i32, i32) {
    %c0_i32 = arith.constant 0 : i32
    %c0_i32_0 = arith.constant 0 : i32
    return %arg0, %c0_i32 : i32, i32
  }
  func.func @transform_10(%arg0: i32) -> (i32, i32) {
    %c0_i32 = arith.constant 0 : i32
    %c0_i32_0 = arith.constant 0 : i32
    %c0_i32_1 = arith.constant 0 : i32
    return %c0_i32, %c0_i32_0 : i32, i32
  }
}

module attributes {stable_mosaic.version = 14 : i64} {
  func.func @body(%arg0: i32, %arg1: memref<1000x512xf32, #tpu.memory_space<vmem>>, %arg2: memref<2x512xf32, #tpu.memory_space<vmem>>, %arg3: memref<1x1x1000xi32, #tpu.memory_space<vmem>>, %arg4: memref<1000x512xf32, #tpu.memory_space<vmem>>, %arg5: memref<64x512xf32, #tpu.memory_space<vmem>>, %arg6: memref<64x512xf32, #tpu.memory_space<vmem>>) attributes {dimension_semantics = [#tpu.dimension_semantics<arbitrary>], iteration_bounds = array<i64: 10>, scalar_prefetch = 0 : i64, scratch_operands = 1 : i64, tpu.core_type = #tpu.core_type<tc>, window_params = [{transform_indices = @transform_0, window_bounds = array<i64: 1000, 512>}, {pipeline_mode = #tpu.pipeline_mode<synchronous>, transform_indices = @transform_1, window_bounds = array<i64: 2, 512>}, {transform_indices = @transform_2, window_bounds = array<i64: 1, 1, 1000>}, {transform_indices = @transform_3, window_bounds = array<i64: 1000, 512>}, {pipeline_mode = #tpu.pipeline_mode<synchronous>, transform_indices = @transform_4, window_bounds = array<i64: 64, 512>}]} {
    %get3A = arith.constant 0 : index
    %get3A_0 = arith.constant 0 : index
    %get3A_1 = vector.load %arg1[%get3A, %get3A_0] : memref<1000x512xf32, #tpu.memory_space<vmem>>, vector<1000x512xf32>
    %get3A_2 = arith.constant 0 : index
    %get3A_3 = arith.constant 0 : index
    %get3A_4 = vector.load %arg2[%get3A_2, %get3A_3] : memref<2x512xf32, #tpu.memory_space<vmem>>, vector<1x512xf32>
    %mul3A = vector.broadcast %get3A_4 : vector<1x512xf32> to vector<1000x512xf32>
    %mul3A_5 = arith.mulf %get3A_1, %mul3A : vector<1000x512xf32>
    %get3A_6 = arith.constant 1 : index
    %get3A_7 = arith.constant 0 : index
    %get3A_8 = vector.load %arg2[%get3A_6, %get3A_7] : memref<2x512xf32, #tpu.memory_space<vmem>>, vector<1x512xf32>
    %add3A = vector.broadcast %get3A_8 : vector<1x512xf32> to vector<1000x512xf32>
    %add3A_9 = arith.addf %mul3A_5, %add3A : vector<1000x512xf32>
    %max3A = arith.constant 0.000000e+00 : f32
    %max3A_10 = vector.broadcast %max3A : f32 to vector<1000x512xf32>
    %max3A_11 = arith.maximumf %add3A_9, %max3A_10 : vector<1000x512xf32>
    %swap3A = arith.constant 0 : index
    %swap3A_12 = arith.constant 0 : index
    %swap3A_13 = vector.load %arg4[%swap3A, %swap3A_12] : memref<1000x512xf32, #tpu.memory_space<vmem>>, vector<1000x512xf32>
    tpu.vector_store %arg4[%swap3A, %swap3A_12], %max3A_11 {strides = array<i32>} : memref<1000x512xf32, #tpu.memory_space<vmem>>, vector<1000x512xf32>,
    %get3A_14 = arith.constant 0 : index
    %get3A_15 = arith.constant 0 : index
    %get3A_16 = arith.constant 0 : index
    %get3A_17 = vector.load %arg3[%get3A_14, %get3A_15, %get3A_16] : memref<1x1x1000xi32, #tpu.memory_space<vmem>>, vector<1x1x1000xi32>
    %get3A_18 = vector.shape_cast %get3A_17 : vector<1x1x1000xi32> to vector<1x1000xi32>
    %iota3A = tpu.iota {dimensions = array<i32: 0>} : vector<64x1000xi32>
    %eq3A = vector.broadcast %get3A_18 : vector<1x1000xi32> to vector<64x1000xi32>
    %eq3A_19 = arith.cmpi eq, %iota3A, %eq3A : vector<64x1000xi32>
    %convert_element_type3A = arith.extui %eq3A_19 : vector<64x1000xi1> to vector<64x1000xi32>
    %convert_element_type3A_20 = arith.sitofp %convert_element_type3A : vector<64x1000xi32> to vector<64x1000xf32>
    %eq3A_21 = arith.constant 0 : i32
    %eq3A_22 = arith.cmpi eq, %arg0, %eq3A_21 : i32
    %convert_element_type3A_23 = arith.extui %eq3A_22 : i1 to i32
    %cond3A = arith.constant 0 : i32
    %cond3A_24 = arith.cmpi ne, %convert_element_type3A_23, %cond3A : i32
    scf.if %cond3A_24 {
      %broadcast_in_dim3A = arith.constant 0.000000e+00 : f32
      %broadcast_in_dim3A_38 = vector.broadcast %broadcast_in_dim3A : f32 to vector<64x512xf32>
      %swap3A_39 = arith.constant 0 : index
      %swap3A_40 = arith.constant 0 : index
      %swap3A_41 = vector.load %arg6[%swap3A_39, %swap3A_40] : memref<64x512xf32, #tpu.memory_space<vmem>>, vector<64x512xf32>
      tpu.vector_store %arg6[%swap3A_39, %swap3A_40], %broadcast_in_dim3A_38 {strides = array<i32>} : memref<64x512xf32, #tpu.memory_space<vmem>>, vector<64x512xf32>,
    } else {
    }
    %get3A_25 = arith.constant 0 : index
    %get3A_26 = arith.constant 0 : index
    %get3A_27 = vector.load %arg6[%get3A_25, %get3A_26] : memref<64x512xf32, #tpu.memory_space<vmem>>, vector<64x512xf32>
    %dot_general3A = arith.constant dense<0.000000e+00> : vector<64x512xf32>
    %dot_general3A_28 = tpu.matmul %convert_element_type3A_20, %max3A_11, %dot_general3A {dimension_numbers = #tpu.dot_dimension_numbers<[1], [0], [0], [1], [0, 0, 1, 1], [], []>, precision = #tpu.contract_precision<fp32>, transpose_lhs_hint = false} : vector<64x1000xf32>, vector<1000x512xf32>, vector<64x512xf32> -> vector<64x512xf32>
    %add3A_29 = arith.addf %get3A_27, %dot_general3A_28 : vector<64x512xf32>
    %swap3A_30 = arith.constant 0 : index
    %swap3A_31 = arith.constant 0 : index
    %swap3A_32 = vector.load %arg6[%swap3A_30, %swap3A_31] : memref<64x512xf32, #tpu.memory_space<vmem>>, vector<64x512xf32>
    tpu.vector_store %arg6[%swap3A_30, %swap3A_31], %add3A_29 {strides = array<i32>} : memref<64x512xf32, #tpu.memory_space<vmem>>, vector<64x512xf32>,
    %eq3A_33 = arith.constant 9 : i32
    %eq3A_34 = arith.cmpi eq, %arg0, %eq3A_33 : i32
    %convert_element_type3A_35 = arith.extui %eq3A_34 : i1 to i32
    %cond3A_36 = arith.constant 0 : i32
    %cond3A_37 = arith.cmpi ne, %convert_element_type3A_35, %cond3A_36 : i32
    scf.if %cond3A_37 {
      %get3A_38 = arith.constant 0 : index
      %get3A_39 = arith.constant 0 : index
      %get3A_40 = vector.load %arg6[%get3A_38, %get3A_39] : memref<64x512xf32, #tpu.memory_space<vmem>>, vector<64x512xf32>
      %swap3A_41 = arith.constant 0 : index
      %swap3A_42 = arith.constant 0 : index
      %swap3A_43 = vector.load %arg5[%swap3A_41, %swap3A_42] : memref<64x512xf32, #tpu.memory_space<vmem>>, vector<64x512xf32>
      tpu.vector_store %arg5[%swap3A_41, %swap3A_42], %get3A_40 {strides = array<i32>} : memref<64x512xf32, #tpu.memory_space<vmem>>, vector<64x512xf32>,
    } else {
    }
    return
  }
  func.func @transform_0(%arg0: i32) -> (i32, i32) {
    %c0_i32 = arith.constant 0 : i32
    %c0_i32_0 = arith.constant 0 : i32
    return %arg0, %c0_i32 : i32, i32
  }
  func.func @transform_1(%arg0: i32) -> (i32, i32) {
    %c0_i32 = arith.constant 0 : i32
    %c0_i32_0 = arith.constant 0 : i32
    %c0_i32_1 = arith.constant 0 : i32
    return %c0_i32, %c0_i32_0 : i32, i32
  }
  func.func @transform_2(%arg0: i32) -> (i32, i32, i32) {
    %c0_i32 = arith.constant 0 : i32
    %c0_i32_0 = arith.constant 0 : i32
    %c0_i32_1 = arith.constant 0 : i32
    return %arg0, %c0_i32, %c0_i32_0 : i32, i32, i32
  }
  func.func @transform_3(%arg0: i32) -> (i32, i32) {
    %c0_i32 = arith.constant 0 : i32
    %c0_i32_0 = arith.constant 0 : i32
    return %arg0, %c0_i32 : i32, i32
  }
  func.func @transform_4(%arg0: i32) -> (i32, i32) {
    %c0_i32 = arith.constant 0 : i32
    %c0_i32_0 = arith.constant 0 : i32
    %c0_i32_1 = arith.constant 0 : i32
    return %c0_i32, %c0_i32_0 : i32, i32
  }
}

module attributes {stable_mosaic.version = 14 : i64} {
  func.func @body(%arg0: i32, %arg1: memref<64x6912xf32, #tpu.memory_space<vmem>>, %arg2: memref<6912x128xf32, #tpu.memory_space<vmem>>, %arg3: memref<1x128xf32, #tpu.memory_space<vmem>>, %arg4: memref<1x128xf32, #tpu.memory_space<vmem>>, %arg5: memref<1x128xf32, #tpu.memory_space<vmem>>, %arg6: memref<128x10xf32, #tpu.memory_space<vmem>>, %arg7: memref<1x10xf32, #tpu.memory_space<vmem>>, %arg8: memref<64x10xf32, #tpu.memory_space<vmem>>, %arg9: memref<64x10xf32, #tpu.memory_space<vmem>>) attributes {dimension_semantics = [#tpu.dimension_semantics<arbitrary>], iteration_bounds = array<i64: 27>, scalar_prefetch = 0 : i64, scratch_operands = 1 : i64, tpu.core_type = #tpu.core_type<tc>, window_params = [{pipeline_mode = #tpu.pipeline_mode<synchronous>, transform_indices = @transform_0, window_bounds = array<i64: 64, 6912>}, {transform_indices = @transform_1, window_bounds = array<i64: 6912, 128>}, {transform_indices = @transform_2, window_bounds = array<i64: 1, 128>}, {transform_indices = @transform_3, window_bounds = array<i64: 1, 128>}, {transform_indices = @transform_4, window_bounds = array<i64: 1, 128>}, {transform_indices = @transform_5, window_bounds = array<i64: 128, 10>}, {pipeline_mode = #tpu.pipeline_mode<synchronous>, transform_indices = @transform_6, window_bounds = array<i64: 1, 10>}, {pipeline_mode = #tpu.pipeline_mode<synchronous>, transform_indices = @transform_7, window_bounds = array<i64: 64, 10>}]} {
    %get3A = arith.constant 0 : index
    %get3A_0 = arith.constant 0 : index
    %get3A_1 = vector.load %arg1[%get3A, %get3A_0] : memref<64x6912xf32, #tpu.memory_space<vmem>>, vector<64x6912xf32>
    %convert_element_type3A = arith.truncf %get3A_1 : vector<64x6912xf32> to vector<64x6912xbf16>
    %get3A_2 = arith.constant 0 : index
    %get3A_3 = arith.constant 0 : index
    %get3A_4 = vector.load %arg2[%get3A_2, %get3A_3] : memref<6912x128xf32, #tpu.memory_space<vmem>>, vector<6912x128xf32>
    %convert_element_type3A_5 = arith.truncf %get3A_4 : vector<6912x128xf32> to vector<6912x128xbf16>
    %dot_general3A = arith.constant dense<0.000000e+00> : vector<64x128xf32>
    %dot_general3A_6 = tpu.matmul %convert_element_type3A, %convert_element_type3A_5, %dot_general3A {dimension_numbers = #tpu.dot_dimension_numbers<[1], [0], [0], [1], [0, 0, 1, 1], [], []>, transpose_lhs_hint = false} : vector<64x6912xbf16>, vector<6912x128xbf16>, vector<64x128xf32> -> vector<64x128xf32>
    %get3A_7 = arith.constant 0 : index
    %get3A_8 = arith.constant 0 : index
    %get3A_9 = vector.load %arg3[%get3A_7, %get3A_8] : memref<1x128xf32, #tpu.memory_space<vmem>>, vector<1x128xf32>
    %add3A = vector.broadcast %get3A_9 : vector<1x128xf32> to vector<64x128xf32>
    %add3A_10 = arith.addf %dot_general3A_6, %add3A : vector<64x128xf32>
    %reduce_sum3A = arith.constant dense<0.000000e+00> : vector<128xf32>
    %reduce_sum3A_11 = vector.multi_reduction <add>, %add3A_10, %reduce_sum3A [0] : vector<64x128xf32> to vector<128xf32>
    %broadcast_in_dim3A = vector.shape_cast %reduce_sum3A_11 : vector<128xf32> to vector<1x128xf32>
    %div3A = arith.constant 6.400000e+01 : f32
    %div3A_12 = vector.broadcast %div3A : f32 to vector<1x128xf32>
    %div3A_13 = arith.divf %broadcast_in_dim3A, %div3A_12 : vector<1x128xf32>
    %sub3A = vector.broadcast %div3A_13 : vector<1x128xf32> to vector<64x128xf32>
    %sub3A_14 = arith.subf %add3A_10, %sub3A : vector<64x128xf32>
    %mul3A = arith.mulf %sub3A_14, %sub3A_14 : vector<64x128xf32>
    %reduce_sum3A_15 = arith.constant dense<0.000000e+00> : vector<128xf32>
    %reduce_sum3A_16 = vector.multi_reduction <add>, %mul3A, %reduce_sum3A_15 [0] : vector<64x128xf32> to vector<128xf32>
    %broadcast_in_dim3A_17 = vector.shape_cast %reduce_sum3A_16 : vector<128xf32> to vector<1x128xf32>
    %div3A_18 = arith.constant 6.400000e+01 : f32
    %div3A_19 = vector.broadcast %div3A_18 : f32 to vector<1x128xf32>
    %div3A_20 = arith.divf %broadcast_in_dim3A_17, %div3A_19 : vector<1x128xf32>
    %get3A_21 = arith.constant 0 : index
    %get3A_22 = arith.constant 0 : index
    %get3A_23 = vector.load %arg4[%get3A_21, %get3A_22] : memref<1x128xf32, #tpu.memory_space<vmem>>, vector<1x128xf32>
    %sub3A_24 = vector.broadcast %div3A_13 : vector<1x128xf32> to vector<64x128xf32>
    %sub3A_25 = arith.subf %add3A_10, %sub3A_24 : vector<64x128xf32>
    %mul3A_26 = vector.broadcast %get3A_23 : vector<1x128xf32> to vector<64x128xf32>
    %mul3A_27 = arith.mulf %mul3A_26, %sub3A_25 : vector<64x128xf32>
    %add3A_28 = arith.constant 9.99999974E-6 : f32
    %add3A_29 = vector.broadcast %add3A_28 : f32 to vector<1x128xf32>
    %add3A_30 = arith.addf %div3A_20, %add3A_29 : vector<1x128xf32>
    %sqrt3A = math.sqrt %add3A_30 : vector<1x128xf32>
    %div3A_31 = vector.broadcast %sqrt3A : vector<1x128xf32> to vector<64x128xf32>
    %div3A_32 = arith.divf %mul3A_27, %div3A_31 : vector<64x128xf32>
    %get3A_33 = arith.constant 0 : index
    %get3A_34 = arith.constant 0 : index
    %get3A_35 = vector.load %arg5[%get3A_33, %get3A_34] : memref<1x128xf32, #tpu.memory_space<vmem>>, vector<1x128xf32>
    %add3A_36 = vector.broadcast %get3A_35 : vector<1x128xf32> to vector<64x128xf32>
    %add3A_37 = arith.addf %div3A_32, %add3A_36 : vector<64x128xf32>
    %max3A = arith.constant 0.000000e+00 : f32
    %max3A_38 = vector.broadcast %max3A : f32 to vector<64x128xf32>
    %max3A_39 = arith.maximumf %add3A_37, %max3A_38 : vector<64x128xf32>
    %eq3A = arith.constant 0 : i32
    %eq3A_40 = arith.cmpi eq, %arg0, %eq3A : i32
    %convert_element_type3A_41 = arith.extui %eq3A_40 : i1 to i32
    %cond3A = arith.constant 0 : i32
    %cond3A_42 = arith.cmpi ne, %convert_element_type3A_41, %cond3A : i32
    scf.if %cond3A_42 {
      %broadcast_in_dim3A_61 = arith.constant 0.000000e+00 : f32
      %broadcast_in_dim3A_62 = vector.broadcast %broadcast_in_dim3A_61 : f32 to vector<64x10xf32>
      %swap3A_63 = arith.constant 0 : index
      %swap3A_64 = arith.constant 0 : index
      %swap3A_65 = vector.load %arg9[%swap3A_63, %swap3A_64] : memref<64x10xf32, #tpu.memory_space<vmem>>, vector<64x10xf32>
      tpu.vector_store %arg9[%swap3A_63, %swap3A_64], %broadcast_in_dim3A_62 {strides = array<i32>} : memref<64x10xf32, #tpu.memory_space<vmem>>, vector<64x10xf32>,
    } else {
    }
    %get3A_43 = arith.constant 0 : index
    %get3A_44 = arith.constant 0 : index
    %get3A_45 = vector.load %arg9[%get3A_43, %get3A_44] : memref<64x10xf32, #tpu.memory_space<vmem>>, vector<64x10xf32>
    %convert_element_type3A_46 = arith.truncf %max3A_39 : vector<64x128xf32> to vector<64x128xbf16>
    %get3A_47 = arith.constant 0 : index
    %get3A_48 = arith.constant 0 : index
    %get3A_49 = vector.load %arg6[%get3A_47, %get3A_48] : memref<128x10xf32, #tpu.memory_space<vmem>>, vector<128x10xf32>
    %convert_element_type3A_50 = arith.truncf %get3A_49 : vector<128x10xf32> to vector<128x10xbf16>
    %dot_general3A_51 = arith.constant dense<0.000000e+00> : vector<64x10xf32>
    %dot_general3A_52 = tpu.matmul %convert_element_type3A_46, %convert_element_type3A_50, %dot_general3A_51 {dimension_numbers = #tpu.dot_dimension_numbers<[1], [0], [0], [1], [0, 0, 1, 1], [], []>, transpose_lhs_hint = false} : vector<64x128xbf16>, vector<128x10xbf16>, vector<64x10xf32> -> vector<64x10xf32>
    %add3A_53 = arith.addf %get3A_45, %dot_general3A_52 : vector<64x10xf32>
    %swap3A = arith.constant 0 : index
    %swap3A_54 = arith.constant 0 : index
    %swap3A_55 = vector.load %arg9[%swap3A, %swap3A_54] : memref<64x10xf32, #tpu.memory_space<vmem>>, vector<64x10xf32>
    tpu.vector_store %arg9[%swap3A, %swap3A_54], %add3A_53 {strides = array<i32>} : memref<64x10xf32, #tpu.memory_space<vmem>>, vector<64x10xf32>,
    %eq3A_56 = arith.constant 26 : i32
    %eq3A_57 = arith.cmpi eq, %arg0, %eq3A_56 : i32
    %convert_element_type3A_58 = arith.extui %eq3A_57 : i1 to i32
    %cond3A_59 = arith.constant 0 : i32
    %cond3A_60 = arith.cmpi ne, %convert_element_type3A_58, %cond3A_59 : i32
    scf.if %cond3A_60 {
      %get3A_61 = arith.constant 0 : index
      %get3A_62 = arith.constant 0 : index
      %get3A_63 = vector.load %arg9[%get3A_61, %get3A_62] : memref<64x10xf32, #tpu.memory_space<vmem>>, vector<64x10xf32>
      %get3A_64 = arith.constant 0 : index
      %get3A_65 = arith.constant 0 : index
      %get3A_66 = vector.load %arg7[%get3A_64, %get3A_65] : memref<1x10xf32, #tpu.memory_space<vmem>>, vector<1x10xf32>
      %add3A_67 = vector.broadcast %get3A_66 : vector<1x10xf32> to vector<64x10xf32>
      %add3A_68 = arith.addf %get3A_63, %add3A_67 : vector<64x10xf32>
      %swap3A_69 = arith.constant 0 : index
      %swap3A_70 = arith.constant 0 : index
      %swap3A_71 = vector.load %arg8[%swap3A_69, %swap3A_70] : memref<64x10xf32, #tpu.memory_space<vmem>>, vector<64x10xf32>
      tpu.vector_store %arg8[%swap3A_69, %swap3A_70], %add3A_68 {strides = array<i32>} : memref<64x10xf32, #tpu.memory_space<vmem>>, vector<64x10xf32>,
    } else {
    }
    return
  }
  func.func @transform_0(%arg0: i32) -> (i32, i32) {
    %c0_i32 = arith.constant 0 : i32
    %c0_i32_0 = arith.constant 0 : i32
    %c0_i32_1 = arith.constant 0 : i32
    return %c0_i32, %c0_i32_0 : i32, i32
  }
  func.func @transform_1(%arg0: i32) -> (i32, i32) {
    %c0_i32 = arith.constant 0 : i32
    %c0_i32_0 = arith.constant 0 : i32
    return %c0_i32, %arg0 : i32, i32
  }
  func.func @transform_2(%arg0: i32) -> (i32, i32) {
    %c0_i32 = arith.constant 0 : i32
    %c0_i32_0 = arith.constant 0 : i32
    return %c0_i32, %arg0 : i32, i32
  }
  func.func @transform_3(%arg0: i32) -> (i32, i32) {
    %c0_i32 = arith.constant 0 : i32
    %c0_i32_0 = arith.constant 0 : i32
    return %c0_i32, %arg0 : i32, i32
  }
  func.func @transform_4(%arg0: i32) -> (i32, i32) {
    %c0_i32 = arith.constant 0 : i32
    %c0_i32_0 = arith.constant 0 : i32
    return %c0_i32, %arg0 : i32, i32
  }
  func.func @transform_5(%arg0: i32) -> (i32, i32) {
    %c0_i32 = arith.constant 0 : i32
    %c0_i32_0 = arith.constant 0 : i32
    return %arg0, %c0_i32 : i32, i32
  }
  func.func @transform_6(%arg0: i32) -> (i32, i32) {
    %c0_i32 = arith.constant 0 : i32
    %c0_i32_0 = arith.constant 0 : i32
    %c0_i32_1 = arith.constant 0 : i32
    return %c0_i32, %c0_i32_0 : i32, i32
  }
  func.func @transform_7(%arg0: i32) -> (i32, i32) {
    %c0_i32 = arith.constant 0 : i32
    %c0_i32_0 = arith.constant 0 : i32
    %c0_i32_1 = arith.constant 0 : i32
    return %c0_i32, %c0_i32_0 : i32, i32
  }
}

</mosaic_0001>

<sc_bundles>
// kernel: kernel.12.cloned.1.call-start
scs
__scs_entry_jumppad:
0x0: {  	(pc) =	sbr.rel $0x88, $3  }
0x1: {  	(tag) =	ssettag $0x0;
	lr =	simm.s32 $0x1  }
0x2: {  	[smem:$0x3F85] =	sst lr;
	_ =	strace $0xD0000000  }
0x3: {  	_ = 	snop  }
0x4: {  	_ = 	snop  }
0x5: {  	_ = 	snop  }
0x6: {  	_ = 	snop  }
0x7: {  	_ = 	snop  }
__scs_overlays_trampoline_lowered:
0x8: {  	[smem:$0x3F94] =	sst s0  }
0x9: {  	[smem:$0x3F95] =	sst s1  }
0xa: {  	[smem:$0x3F96] =	sst s2  }
0xb: {  	[smem:$0x3F97] =	sst s3  }
0xc: {  	[smem:$0x3F98] =	sst s4  }
0xd: {  	[smem:$0x3F99] =	sst s5  }
0xe: {  	[smem:$0x3F9A] =	sst s6  }
0xf: {  	[smem:$0x3F9B] =	sst s7  }
0x10: {  	[smem:$0x3F9C] =	sst s8  }
0x11: {  	[smem:$0x3F9D] =	sst s9;
	s0 =	simm.s32 @!p0 $0x0  }
0x12: {  	s1 =	sld [smem:$0x3F83];
	s0 =	simm.s32 @p0 $0x1  }
0x13: {  	[smem:$0x3F9E] =	sst s0;
	s0 =	simm.s32 @!p1 $0x0  }
0x14: {  	s2 =	sld [smem:$0x3F82];
	s0 =	simm.s32 @p1 $0x1  }
0x15: {  	[smem:$0x3F9F] =	sst s0;
	s0 =	simm.s32 @!p2 $0x0  }
0x16: {  	s3 =	sld [smem:$0x3FDB];
	s0 =	simm.s32 @p2 $0x1  }
0x17: {  	s4 =	simm.s32 $0x1BF5;
	[smem:$0x3FA1] =	sst s0  }
0x18: {  	s0 =	sld [smem:$0x3F84];
	_ =	swait.ge [sflag:s4], $0x0  }
0x19: {  	s7 =	sld [smem:$0x3F85]  }
0x1a: {  	s8 =	sadd.s32 $0xFFFFE003, lr  }
0x1b: {  	s9 =	sadd.s32 $0xFFFFFEF7, lr;
	s5 =	simm.s32 $0xFFFFFFFF;
	p2 =	slt.u32 s8, $0xFFFFF086  }
0x1c: {  	p1 =	slt.u32 s9, $0xF7A;
	s5 =	simm.s32 @!p2 $0x0  }
0x1d: {  	s5 =	simm.s32 @p1 $0x1;
	p0 =	seq.s32 s7, s2  }
0x1e: {  	s7 =	smul.u32 @!p0 $0xF7A, s2;
	p2 =	seq.s32 @!p0 s5, $0x0  }
0x1f: {  	s9 =	smul.u32 $0xF7A, s1;
	s8 =	simm.s32 @!p0 $0x1BF5;
	p2 =	por !p2, p0  }
0x20: {  	[sflag:s8] =	ssyncset.s32 @!p0 $0xFFFFF086;
	s6 =	sadd.s32 @!p0 s3, s7;
	s7 =	simm.s32 @!p0 $0x108  }
0x21: {  	s3 =	sadd.s32 s3, s9;
	s6 =	sadd.s32 @!p0 $0x88, s6;
	s7 =	simm.s32 @p2 $0x1082  }
0x22: {  	[simem:s7], [sflag:s8] =	dma.local @!p0 [hbm:s6], $0xF7A  }
0x23: {  	s9 =	sor.u32 $0xD0000000, s2;
	s6 =	simm.s32 $0x108;
	_ =	swait.ge @!p0 [sflag:s8], $0x0  }
0x24: {  	s3 =	sadd.s32 $0x88, s3;
	s6 =	simm.s32 @!p1 $0x1082;
	[sflag:s4] =	ssyncset.s32 $0xFFFFF086  }
0x25: {  	[simem:s6], [sflag:s4] =	dma.local [hbm:s3], $0xF7A  }
0x26: {  	[smem:$0x3F85] =	sst s1;
	(tag) =	ssettag s2;
	_ =	strace s9  }
0x27: {  	s1 =	sld [smem:$0x3F95]  }
0x28: {  	s2 =	sld [smem:$0x3F96]  }
0x29: {  	s4 =	sld [smem:$0x3F98]  }
0x2a: {  	p0 =	seq.s32 s5, $0x0;
	s5 =	sld [smem:$0x3F99]  }
0x2b: {  	s6 =	sld [smem:$0x3F9A]  }
0x2c: {  	s7 =	sld [smem:$0x3F9B]  }
0x2d: {  	s3 =	simm.s32 $0x108;
	s8 =	sld [smem:$0x3F9C]  }
0x2e: {  	s3 =	simm.s32 @!p0 $0x1082;
	s9 =	sld [smem:$0x3F9D]  }
0x2f: {  	lr =	sadd.s32 s0, s3;
	s0 =	sld [smem:$0x3F94]  }
0x30: {  	s3 =	sld [smem:$0x3F97]  }
0x31: {  	[smem:$0x3FA0] =	sst s10  }
0x32: {  	s10 =	sld [smem:$0x3F9E];
	_ =	sdelay $0x3  }
0x33: {  	p0 =	seq.s32 s10, $0x1;
	s10 =	sld [smem:$0x3FA0];
	_ =	sdelay $0x3  }
0x34: {  	[smem:$0x3FA0] =	sst s10  }
0x35: {  	s10 =	sld [smem:$0x3F9F];
	_ =	sdelay $0x3  }
0x36: {  	p1 =	seq.s32 s10, $0x1;
	s10 =	sld [smem:$0x3FA0];
	_ =	sdelay $0x3  }
0x37: {  	[smem:$0x3FA0] =	sst s10  }
0x38: {  	s10 =	sld [smem:$0x3FA1]  }
0x39: {  	_ = 	snop;
	(pc) =	sbr.ind lr, $3  }
0x3a: {  	_ = 	snop  }
0x3b: {  	_ = 	snop  }
0x3c: {  	p2 =	seq.s32 s10, $0x1;
	s10 =	sld [smem:$0x3FA0]  }
0x3d: {  	_ =	shalt  }
0x3e: {  	_ =	shalt  }
0x3f: {  	_ =	shalt  }
0x40: {  	_ =	shalt  }
0x41: {  	_ =	shalt  }
0x42: {  	_ =	shalt  }
0x43: {  	_ =	shalt  }
0x44: {  	_ =	shalt  }
0x45: {  	_ =	shalt  }
0x46: {  	_ =	shalt  }
0x47: {  	_ =	shalt  }
0x48: {  	_ =	shalt  }
0x49: {  	_ =	shalt  }
0x4a: {  	_ =	shalt  }
0x4b: {  	_ =	shalt  }
0x4c: {  	_ =	shalt  }
0x4d: {  	_ =	shalt  }
0x4e: {  	_ =	shalt  }
0x4f: {  	_ =	shalt  }
0x50: {  	_ =	shalt  }
0x51: {  	_ =	shalt  }
0x52: {  	_ =	shalt  }
0x53: {  	_ =	shalt  }
0x54: {  	_ =	shalt  }
0x55: {  	_ =	shalt  }
0x56: {  	_ =	shalt  }
0x57: {  	_ =	shalt  }
0x58: {  	_ =	shalt  }
0x59: {  	_ =	shalt  }
0x5a: {  	_ =	shalt  }
0x5b: {  	_ =	shalt  }
0x5c: {  	_ =	shalt  }
0x5d: {  	_ =	shalt  }
0x5e: {  	_ =	shalt  }
0x5f: {  	_ =	shalt  }
0x60: {  	_ =	shalt  }
0x61: {  	_ =	shalt  }
0x62: {  	_ =	shalt  }
0x63: {  	_ =	shalt  }
0x64: {  	_ =	shalt  }
0x65: {  	_ =	shalt  }
0x66: {  	_ =	shalt  }
0x67: {  	_ =	shalt  }
0x68: {  	_ =	shalt  }
0x69: {  	_ =	shalt  }
0x6a: {  	_ =	shalt  }
0x6b: {  	_ =	shalt  }
0x6c: {  	_ =	shalt  }
0x6d: {  	_ =	shalt  }
0x6e: {  	_ =	shalt  }
0x6f: {  	_ =	shalt  }
0x70: {  	_ =	shalt  }
0x71: {  	_ =	shalt  }
0x72: {  	_ =	shalt  }
0x73: {  	_ =	shalt  }
0x74: {  	_ =	shalt  }
0x75: {  	_ =	shalt  }
0x76: {  	_ =	shalt  }
0x77: {  	_ =	shalt  }
0x78: {  	_ =	shalt  }
0x79: {  	_ =	shalt  }
0x7a: {  	_ =	shalt  }
0x7b: {  	_ =	shalt  }
0x7c: {  	_ =	shalt  }
0x7d: {  	_ =	shalt  }
0x7e: {  	_ =	shalt  }
0x7f: {  	_ =	shalt  }
0x80: {  	_ =	shalt  }
0x81: {  	_ =	shalt  }
0x82: {  	_ =	shalt  }
0x83: {  	_ =	shalt  }
0x84: {  	_ =	shalt  }
0x85: {  	_ =	shalt  }
0x86: {  	_ =	shalt  }
0x87: {  	_ =	shalt  }
.Lfunc_end0:
.L_simem_size_0:
called_computation_lowered:
.L_overlay_start_0:
0x88: {  	s2 =	sld [smem:$0x3FD9]  }
0x89: {  	s3 =	sld [smem:$0x3FFE];
	_ =	sdelay $0x1  }
0x8a: {  	s1 =	srdreg.scid  }
0x8b: {  	s0 =	sand.u32 $0x1, s1  }
0x8c: {  	s17 =	sshll.u32 s0, $0xA;
	s2 =	sadd.s32 s3, s2  }
0x8d: {  	s2 =	sadd.s32 s2, s17  }
0x8e: {  	[smem:$0x3FAC] =	sst s2  }
0x8f: {  	_ = 	snop  }
0x90: {  	s2 =	sld [smem:$0x3FC9];
	(tm) =	ssettm $0x1  }
0x91: {  	s18 =	sld [smem:$0x3FFB];
	_ =	sdelay $0x3  }
0x92: {  	_ =	strace s18  }
0x93: {  	s3 =	sld [smem:$0x3FFC];
	_ =	sdelay $0x3  }
0x94: {  	_ =	strace s3  }
0x95: {  	s3 =	sld [smem:$0x3FFD];
	_ =	sdelay $0x3  }
0x96: {  	_ =	strace s3  }
0x97: {  	_ =	strace $0x8FFFFFFF  }
0x98: {  	s19 =	sld [smem:$0x3FDB];
	_ =	sdelay $0x1  }
0x99: {  	s4 =	simm.s32 $_scs_section_size  }
0x9a: {  	s5 =	simm.s32 $_size__tile_overlayer_lowered;
	s6 =	simm.s32 $_tile_overlayer_lowered  }
0x9b: {  	s22 =	simm.s32 $0x1BFF;
	s21 =	sshll.u32 s6, $0x1;
	s3 =	sadd.s32 s4, s19  }
0x9c: {  	s7 =	simm.s32 $0x0;
	s20 =	sshll.u32 s5, $0x1;
	s5 =	sadd.s32 s21, s3  }
0x9d: {  	[timem:s7], [sflag:s22] =	dma.local [hbm:s5], s20  }
0x9e: {  	_ =	swait.ge [sflag:s22], s20  }
0x9f: {  	s4 =	ssub.s32 $0x0, s20;
	[sflag:s22] =	ssyncset.done $0x0  }
0xa0: {  	[sflag:s22] =	ssyncadd.s32 s4;
	_ =	sdelay $0x1  }
0xa1: {  	s23 =	simm.s32 $0x1B8B  }
0xa2: {  	_ =	swait.ge [sflag:s23], $0x1  }
0xa3: {  	[sflag:s23] =	ssyncset.done $0x0  }
0xa4: {  	s25 =	simm.s32 $0x1B8E;
	s24 =	sld [smem:$0x3FFE];
	[sflag:s23] =	ssyncadd.s32 $0xFFFFFFFF  }
0xa5: {  	s26 =	simm.s32 $execute0_lowered;
	[smem:$0x3FD2] =	sst s25  }
0xa6: {  	s5 =	sshll.u32 s26, $0x1;
	_ =	strace $0x80000046;
	[dreg:$0x1] =	wrdreg $0xFFFFFFFF  }
0xa7: {  	s28 =	simm.s32 $_size_execute0_lowered;
	s3 =	sadd.s32 s3, s5;
	[dreg:$0x0] =	wrdreg $0x0  }
0xa8: {  	s5 =	sshll.u32 s28, $0x1;
	[dreg:$0x2] =	wrdreg s3  }
0xa9: {  	[dreg:$0x3] =	wrdreg s5  }
0xaa: {  	[dreg:$0x4] =	wrdreg $0xC0  }
0xab: {  	_ =	task [dreg:s7], $0x5FFFF  }
0xac: {  	[dreg:$0x1] =	wrdreg $0xFFFFFFFF  }
0xad: {  	[dreg:$0x0] =	wrdreg $0x60  }
0xae: {  	[dreg:$0x2] =	wrdreg s2  }
0xaf: {  	[dreg:$0x3] =	wrdreg s24  }
0xb0: {  	[dreg:$0x4] =	wrdreg $0x90000  }
0xb1: {  	[dreg:$0x5] =	wrdreg $0x9  }
0xb2: {  	_ =	task.clear_ibuf [dreg:s7], $0x6FFFF;
	_ =	strace $0x90000046  }
0xb3: {  	s29 =	simm.s32 $0x9;
	_ =	strace $0x80000048  }
0xb4: {  	_ =	swait.ge [sflag:s29], $0x1  }
0xb5: {  	[sflag:s29] =	ssyncadd.s32 $0xFFFFFFFF  }
0xb6: {  	_ =	strace $0x90000048  }
0xb7: {  	_ =	sfence  }
0xb8: {  	s30 =	sld [smem:$0x0];
	_ =	sdelay $0x2  }
0xb9: {  	s31 =	sshll.u32 s1, $0xD;
	s1 =	sshrl.u32 s1, $0x2  }
0xba: {  	s3 =	sand.u32 $0x4000, s31;
	s1 =	sadd.s32 s1, s30  }
0xbb: {  	s0 =	sor.u32 s3, s0;
	s1 =	sshll.u32 s1, $0x11  }
0xbc: {  	s0 =	sor.u32 s1, s0  }
0xbd: {  	s0 =	sadd.s32 $0x8F2B, s0  }
0xbe: {  	[sflag:s0] =	ssyncadd.remote.s32 $0x1  }
0xbf: {  	_ =	sfence.sel $0xFFFF  }
0xc0: {  	[dreg:$0x0] =	wrdreg $0xFFFFFFFF;
	(pc) =	sbr.abs _section_cstart, $3  }
0xc1: {  	[dreg:$0x1] =	wrdreg $0xFFFFFFFF  }
0xc2: {  	_ =	task.clear_ibuf [dreg:s7], $0x2FFFF;
	_ =	strace $0x9FFFFFFF  }
0xc3: {  	(tm) =	ssettm $0x7FFFFFFF  }
tec
execute0_lowered:
.L_overlay_start_1:
0x0: {  	(tag) =	ssettag $0x1  }
0x1: {  	s1 =	rddreg [dreg:$0x0]  }
0x2: {  	s0 =	srdreg.scid;
	s7 =	rddreg [dreg:$0x1]  }
0x3: {  	s3 =	rddreg [dreg:$0x2];
	s4 =	simm.s32 $0x0;
	s14 =	simm.s32 $0x80  }
0x4: {  	s15 =	simm.s32 $0x5000;
	s16 =	simm.s32 $0x1;
	s6 =	sand.u32 $0x1, s0  }
0x5: {  	s17 =	simm.s32 $0x0;
	s0 =	stileid.u32;
	s8 =	smul.u32 $0x140000, s6  }
0x6: {  	[smem:$0x7FF] =	sst s4;
	s2 =	sshll.u32 s6, $0x4;
	s9 =	smul.u32 $0x14000, s0  }
0x7: {  	s28 =	smul.u32 $0x50000, s0;
	s6 =	ssub.s32 $0x2, s6;
	s2 =	sor.u32 s0, s2  }
0x8: {  	s31 =	sshll.u32 s0, $0x6;
	s29 =	sshrl.u32 s6, $0x1;
	s5 =	smul.u32 $0x500, s2  }
0x9: {  	s2 =	rddreg [dreg:$0x3];
	_ =	strace $0x80000047;
	s8 =	sadd.s32 s9, s8  }
0xa: {  	s30 =	sshrl.u32 s28, $0x2;
	s12 =	ssub.s32 s6, s29;
	s6 =	sor.u32 $0x1C02, s31  }
0xb: {  	s8 =	sshrl.u32 s8, $0x3;
	s13 =	sadd.s32 s30, s3;
	s10 =	sadd.s32 s5, s7  }
0xc: {  	s5 =	sadd.s32 $0x1A400, s7;
	s11 =	sadd.s32 s8, s7;
	s7 =	sadd.s32 $0x6400, s10  }
0xd: {  	s8 =	sadd.s32 $0x10400, s10;
	s9 =	sadd.s32 $0x1CC00, s11;
	s10 =	smax.u32 s12, $0x1  }
0xe: {  	s11 =	sshrl.u32 s13, $0x3;
	s12 =	simm.s32 $0x2;
	s13 =	simm.s32 $0x2800  }
.LBB2_1:
0xf: {  	[spmem:s11], [sflag:s6] =	dma.local [hbm:s5], $0x2800  }
0x10: {  	_ =	swait.ge [sflag:s12], $0x2800  }
0x11: {  	[sflag:s12] =	ssyncset.done $0x0  }
0x12: {  	[sflag:s12] =	ssyncadd.s32 $0xFFFFD800  }
0x13: {  	[tilespmem:s4], [sflag:$0x2] =	stream.linear.gather [hbm4b:s7+s4], $0x2780, $0x38;
	[tilespmem:$0x1D000] =	vst v63  }
0x14: {  	_ =	swait.ge [sflag:s12], $0x2780  }
0x15: {  	[sflag:s12] =	ssyncset.done $0x0  }
0x16: {  	[sflag:s12] =	ssyncadd.s32 $0xFFFFD880  }
0x17: {  	[tilespmem:s13], [sflag:$0x2] =	stream.linear.gather [hbm4b:s8+s4], $0x2780, $0x38;
	[tilespmem:$0x1D000] =	vst v63  }
0x18: {  	_ =	swait.ge [sflag:s12], $0x2780  }
0x19: {  	[sflag:s12] =	ssyncset.done $0x0  }
0x1a: {  	[sflag:s12] =	ssyncadd.s32 $0xFFFFD880  }
0x1b: {  	s18 =	simm.s32 $0x0;
	[bflag:$0x0] =	sbarrier.arrive $0xFFFF  }
0x1c: {  	[tilespmem:s15], [sflag:$0x1] =	stream.indirect.gather [hbm4b:s1+s14], $0x80, s18, s14, $0xb8;
	[tilespmem:$0x1D000] =	vst v63  }
0x1d: {  	_ =	swait.ge [sflag:s16], $0x4000  }
0x1e: {  	[sflag:s16] =	ssyncset.done $0x0  }
0x1f: {  	s31 =	simm.s32 $0x2800;
	[sflag:s16] =	ssyncadd.s32 $0xFFFFC000  }
0x20: {  	[spmem:s3] =	stream.indirect.scatter.add.f32 [tilespmem:s15], [sflag:$0x2], $0x80, s31, s14, $0xb8;
	[tilespmem:$0x1D000] =	vst v63  }
0x21: {  	_ =	swait.ge [sflag:s12], $0x4000  }
0x22: {  	s19 =	simm.s32 $0x400;
	s18 =	simm.s32 $0x200;
	[sflag:s12] =	ssyncset.done $0x0  }
.LBB2_2:
0x23: {  	s20 =	sshra.s32 s18, $0x2  }
0x24: {  	[sflag:s12] =	ssyncadd.s32 $0xFFFFC000;
	s18 =	smov.u32 s19;
	s21 =	sadd.s32 $0x200, s19  }
0x25: {  	[tilespmem:s15], [sflag:$0x1] =	stream.indirect.gather [hbm4b:s1+s14], $0x80, s20, s14, $0xb8;
	[tilespmem:$0x1D000] =	vst v63  }
0x26: {  	p0 =	sne.s32 s19, $0x9C00;
	_ =	swait.ge [sflag:s16], $0x4000  }
.Ltmp0:
0x27: {  	[sflag:s16] =	ssyncset.done $0x0;
	(pc) =	sbr.rel @p0 .LBB2_2-.Ltmp0, $4  }
0x28: {  	s19 =	sadd.s32 $0x2800, s20;
	[sflag:s16] =	ssyncadd.s32 $0xFFFFC000  }
0x29: {  	[spmem:s3] =	stream.indirect.scatter.add.f32 [tilespmem:s15], [sflag:$0x2], $0x80, s19, s14, $0xb8;
	[tilespmem:$0x1D000] =	vst v63  }
0x2a: {  	_ =	swait.ge [sflag:s12], $0x4000  }
0x2b: {  	s19 =	smov.u32 s21;
	[sflag:s12] =	ssyncset.done $0x0  }
0x2c: {  	s18 =	sshra.s32 s18, $0x2;
	[sflag:s12] =	ssyncadd.s32 $0xFFFFC000  }
0x2d: {  	[tilespmem:s15], [sflag:$0x1] =	stream.indirect.gather [hbm4b:s1+s14], $0x80, s18, s14, $0xb8;
	[tilespmem:$0x1D000] =	vst v63  }
0x2e: {  	_ =	swait.ge [sflag:s16], $0x4000  }
0x2f: {  	[sflag:s16] =	ssyncset.done $0x0  }
0x30: {  	s18 =	sadd.s32 $0x2800, s18;
	[sflag:s16] =	ssyncadd.s32 $0xFFFFC000  }
0x31: {  	[spmem:s3] =	stream.indirect.scatter.add.f32 [tilespmem:s15], [sflag:$0x2], $0x80, s18, s14, $0xb8;
	[tilespmem:$0x1D000] =	vst v63  }
0x32: {  	_ =	swait.ge [sflag:s12], $0x4000  }
0x33: {  	s17 =	sadd.s32 $0x1, s17;
	[sflag:s12] =	ssyncset.done $0x0  }
0x34: {  	p0 =	sne.s32 s17, s10;
	[sflag:s12] =	ssyncadd.s32 $0xFFFFC000  }
.Ltmp1:
0x35: {  	[bflag:$0x0] =	sbarrier.arrive $0xFFFF;
	(pc) =	sbr.rel @p0 .LBB2_1-.Ltmp1, $4  }
0x36: {  	[hbm:s9], [sflag:s6] =	dma.local [spmem:s11], $0x2800  }
0x37: {  	_ =	swait.ge [sflag:s12], $0x2800  }
0x38: {  	[sflag:s12] =	ssyncset.done $0x0  }
0x39: {  	[sflag:s12] =	ssyncadd.s32 $0xFFFFD800  }
0x3a: {  	_ =	sfence.sel $0x180000  }
0x3b: {  	[bflag:$0x0] =	sbarrier.arrive $0xFFFF  }
0x3c: {  	p0 =	sne.s32 s0, $0x0;
	_ =	strace $0x90000047  }
0x3d: {  	s0 =	sadd.s32 @!p0 $0x100000, s2;
	[bflag:$0x2] =	sbarrier.arrive $0xFFFF  }
0x3e: {  	[sflag:s0] =	ssyncadd.tile.s32 @!p0 $0x1;
	_ =	shalt  }
.Lfunc_end2:
_tile_overlayer_lowered:
.L_overlay_start_2:
0x3f: {  	(tag) =	ssettag $0x2  }
0x40: {  	s0 =	rddreg [dreg:$0x0];
	s2 =	stileid.u32  }
0x41: {  	s1 =	rddreg [dreg:$0x1];
	p0 =	sne.s32 s2, $0x0  }
0x42: {  	s3 =	rddreg [dreg:$0x2];
	[bflag:$0x3] =	sbarrier.arrive $0xFFFF;
	s2 =	simm.s32 @!p0 $0x1C02  }
0x43: {  	[timem:s3], [sflag:s2] =	dma.local @!p0 [hbm:s0], s1  }
0x44: {  	s0 =	simm.s32 @!p0 $0x2  }
0x45: {  	_ =	swait.ge @!p0 [sflag:s0], s1  }
0x46: {  	s1 =	ssub.s32 @!p0 $0x0, s1;
	[sflag:s0] =	ssyncset.done @!p0 $0x0  }
0x47: {  	[sflag:s0] =	ssyncadd.s32 @!p0 s1  }
0x48: {  	[bflag:$0x3] =	sbarrier.arrive $0xFFFF  }
0x49: {  	_ =	shalt  }

// kernel: kernel.15.cloned.1.call-start
scs
__scs_entry_jumppad:
0x0: {  	(pc) =	sbr.rel $0x88, $3  }
0x1: {  	(tag) =	ssettag $0x0;
	lr =	simm.s32 $0x1  }
0x2: {  	[smem:$0x3F85] =	sst lr;
	_ =	strace $0xD0000000  }
0x3: {  	_ = 	snop  }
0x4: {  	_ = 	snop  }
0x5: {  	_ = 	snop  }
0x6: {  	_ = 	snop  }
0x7: {  	_ = 	snop  }
__scs_overlays_trampoline_lowered:
0x8: {  	[smem:$0x3F94] =	sst s0  }
0x9: {  	[smem:$0x3F95] =	sst s1  }
0xa: {  	[smem:$0x3F96] =	sst s2  }
0xb: {  	[smem:$0x3F97] =	sst s3  }
0xc: {  	[smem:$0x3F98] =	sst s4  }
0xd: {  	[smem:$0x3F99] =	sst s5  }
0xe: {  	[smem:$0x3F9A] =	sst s6  }
0xf: {  	[smem:$0x3F9B] =	sst s7  }
0x10: {  	[smem:$0x3F9C] =	sst s8  }
0x11: {  	[smem:$0x3F9D] =	sst s9;
	s0 =	simm.s32 @!p0 $0x0  }
0x12: {  	s1 =	sld [smem:$0x3F83];
	s0 =	simm.s32 @p0 $0x1  }
0x13: {  	[smem:$0x3F9E] =	sst s0;
	s0 =	simm.s32 @!p1 $0x0  }
0x14: {  	s2 =	sld [smem:$0x3F82];
	s0 =	simm.s32 @p1 $0x1  }
0x15: {  	[smem:$0x3F9F] =	sst s0;
	s0 =	simm.s32 @!p2 $0x0  }
0x16: {  	s3 =	sld [smem:$0x3FDB];
	s0 =	simm.s32 @p2 $0x1  }
0x17: {  	s4 =	simm.s32 $0x1BF5;
	[smem:$0x3FA1] =	sst s0  }
0x18: {  	s0 =	sld [smem:$0x3F84];
	_ =	swait.ge [sflag:s4], $0x0  }
0x19: {  	s7 =	sld [smem:$0x3F85]  }
0x1a: {  	s8 =	sadd.s32 $0xFFFFE003, lr  }
0x1b: {  	s9 =	sadd.s32 $0xFFFFFEF7, lr;
	s5 =	simm.s32 $0xFFFFFFFF;
	p2 =	slt.u32 s8, $0xFFFFF086  }
0x1c: {  	p1 =	slt.u32 s9, $0xF7A;
	s5 =	simm.s32 @!p2 $0x0  }
0x1d: {  	s5 =	simm.s32 @p1 $0x1;
	p0 =	seq.s32 s7, s2  }
0x1e: {  	s7 =	smul.u32 @!p0 $0xF7A, s2;
	p2 =	seq.s32 @!p0 s5, $0x0  }
0x1f: {  	s9 =	smul.u32 $0xF7A, s1;
	s8 =	simm.s32 @!p0 $0x1BF5;
	p2 =	por !p2, p0  }
0x20: {  	[sflag:s8] =	ssyncset.s32 @!p0 $0xFFFFF086;
	s6 =	sadd.s32 @!p0 s3, s7;
	s7 =	simm.s32 @!p0 $0x108  }
0x21: {  	s3 =	sadd.s32 s3, s9;
	s6 =	sadd.s32 @!p0 $0x88, s6;
	s7 =	simm.s32 @p2 $0x1082  }
0x22: {  	[simem:s7], [sflag:s8] =	dma.local @!p0 [hbm:s6], $0xF7A  }
0x23: {  	s9 =	sor.u32 $0xD0000000, s2;
	s6 =	simm.s32 $0x108;
	_ =	swait.ge @!p0 [sflag:s8], $0x0  }
0x24: {  	s3 =	sadd.s32 $0x88, s3;
	s6 =	simm.s32 @!p1 $0x1082;
	[sflag:s4] =	ssyncset.s32 $0xFFFFF086  }
0x25: {  	[simem:s6], [sflag:s4] =	dma.local [hbm:s3], $0xF7A  }
0x26: {  	[smem:$0x3F85] =	sst s1;
	(tag) =	ssettag s2;
	_ =	strace s9  }
0x27: {  	s1 =	sld [smem:$0x3F95]  }
0x28: {  	s2 =	sld [smem:$0x3F96]  }
0x29: {  	s4 =	sld [smem:$0x3F98]  }
0x2a: {  	p0 =	seq.s32 s5, $0x0;
	s5 =	sld [smem:$0x3F99]  }
0x2b: {  	s6 =	sld [smem:$0x3F9A]  }
0x2c: {  	s7 =	sld [smem:$0x3F9B]  }
0x2d: {  	s3 =	simm.s32 $0x108;
	s8 =	sld [smem:$0x3F9C]  }
0x2e: {  	s3 =	simm.s32 @!p0 $0x1082;
	s9 =	sld [smem:$0x3F9D]  }
0x2f: {  	lr =	sadd.s32 s0, s3;
	s0 =	sld [smem:$0x3F94]  }
0x30: {  	s3 =	sld [smem:$0x3F97]  }
0x31: {  	[smem:$0x3FA0] =	sst s10  }
0x32: {  	s10 =	sld [smem:$0x3F9E];
	_ =	sdelay $0x3  }
0x33: {  	p0 =	seq.s32 s10, $0x1;
	s10 =	sld [smem:$0x3FA0];
	_ =	sdelay $0x3  }
0x34: {  	[smem:$0x3FA0] =	sst s10  }
0x35: {  	s10 =	sld [smem:$0x3F9F];
	_ =	sdelay $0x3  }
0x36: {  	p1 =	seq.s32 s10, $0x1;
	s10 =	sld [smem:$0x3FA0];
	_ =	sdelay $0x3  }
0x37: {  	[smem:$0x3FA0] =	sst s10  }
0x38: {  	s10 =	sld [smem:$0x3FA1]  }
0x39: {  	_ = 	snop;
	(pc) =	sbr.ind lr, $3  }
0x3a: {  	_ = 	snop  }
0x3b: {  	_ = 	snop  }
0x3c: {  	p2 =	seq.s32 s10, $0x1;
	s10 =	sld [smem:$0x3FA0]  }
0x3d: {  	_ =	shalt  }
0x3e: {  	_ =	shalt  }
0x3f: {  	_ =	shalt  }
0x40: {  	_ =	shalt  }
0x41: {  	_ =	shalt  }
0x42: {  	_ =	shalt  }
0x43: {  	_ =	shalt  }
0x44: {  	_ =	shalt  }
0x45: {  	_ =	shalt  }
0x46: {  	_ =	shalt  }
0x47: {  	_ =	shalt  }
0x48: {  	_ =	shalt  }
0x49: {  	_ =	shalt  }
0x4a: {  	_ =	shalt  }
0x4b: {  	_ =	shalt  }
0x4c: {  	_ =	shalt  }
0x4d: {  	_ =	shalt  }
0x4e: {  	_ =	shalt  }
0x4f: {  	_ =	shalt  }
0x50: {  	_ =	shalt  }
0x51: {  	_ =	shalt  }
0x52: {  	_ =	shalt  }
0x53: {  	_ =	shalt  }
0x54: {  	_ =	shalt  }
0x55: {  	_ =	shalt  }
0x56: {  	_ =	shalt  }
0x57: {  	_ =	shalt  }
0x58: {  	_ =	shalt  }
0x59: {  	_ =	shalt  }
0x5a: {  	_ =	shalt  }
0x5b: {  	_ =	shalt  }
0x5c: {  	_ =	shalt  }
0x5d: {  	_ =	shalt  }
0x5e: {  	_ =	shalt  }
0x5f: {  	_ =	shalt  }
0x60: {  	_ =	shalt  }
0x61: {  	_ =	shalt  }
0x62: {  	_ =	shalt  }
0x63: {  	_ =	shalt  }
0x64: {  	_ =	shalt  }
0x65: {  	_ =	shalt  }
0x66: {  	_ =	shalt  }
0x67: {  	_ =	shalt  }
0x68: {  	_ =	shalt  }
0x69: {  	_ =	shalt  }
0x6a: {  	_ =	shalt  }
0x6b: {  	_ =	shalt  }
0x6c: {  	_ =	shalt  }
0x6d: {  	_ =	shalt  }
0x6e: {  	_ =	shalt  }
0x6f: {  	_ =	shalt  }
0x70: {  	_ =	shalt  }
0x71: {  	_ =	shalt  }
0x72: {  	_ =	shalt  }
0x73: {  	_ =	shalt  }
0x74: {  	_ =	shalt  }
0x75: {  	_ =	shalt  }
0x76: {  	_ =	shalt  }
0x77: {  	_ =	shalt  }
0x78: {  	_ =	shalt  }
0x79: {  	_ =	shalt  }
0x7a: {  	_ =	shalt  }
0x7b: {  	_ =	shalt  }
0x7c: {  	_ =	shalt  }
0x7d: {  	_ =	shalt  }
0x7e: {  	_ =	shalt  }
0x7f: {  	_ =	shalt  }
0x80: {  	_ =	shalt  }
0x81: {  	_ =	shalt  }
0x82: {  	_ =	shalt  }
0x83: {  	_ =	shalt  }
0x84: {  	_ =	shalt  }
0x85: {  	_ =	shalt  }
0x86: {  	_ =	shalt  }
0x87: {  	_ =	shalt  }
.Lfunc_end0:
.L_simem_size_0:
called_computation.1_lowered:
.L_overlay_start_0:
0x88: {  	s2 =	sld [smem:$0x3FD9]  }
0x89: {  	s3 =	sld [smem:$0x3FFE];
	_ =	sdelay $0x1  }
0x8a: {  	s1 =	srdreg.scid  }
0x8b: {  	s0 =	sand.u32 $0x1, s1  }
0x8c: {  	s16 =	sshll.u32 s0, $0xA;
	s2 =	sadd.s32 s3, s2  }
0x8d: {  	s2 =	sadd.s32 s2, s16  }
0x8e: {  	[smem:$0x3FAC] =	sst s2  }
0x8f: {  	_ = 	snop  }
0x90: {  	(tm) =	ssettm $0x1  }
0x91: {  	s17 =	sld [smem:$0x3FFB];
	_ =	sdelay $0x3  }
0x92: {  	_ =	strace s17  }
0x93: {  	s2 =	sld [smem:$0x3FFC];
	_ =	sdelay $0x3  }
0x94: {  	_ =	strace s2  }
0x95: {  	s2 =	sld [smem:$0x3FFD];
	_ =	sdelay $0x3  }
0x96: {  	_ =	strace s2  }
0x97: {  	_ =	strace $0x8FFFFFFF  }
0x98: {  	s18 =	sld [smem:$0x3FDB];
	_ =	sdelay $0x1  }
0x99: {  	s19 =	simm.s32 $_scs_section_size  }
0x9a: {  	s4 =	simm.s32 $_size__tile_overlayer_lowered;
	s5 =	simm.s32 $_tile_overlayer_lowered  }
0x9b: {  	s22 =	simm.s32 $0x1BFF;
	s21 =	sshll.u32 s5, $0x1;
	s2 =	sadd.s32 s19, s18  }
0x9c: {  	s6 =	simm.s32 $0x0;
	s20 =	sshll.u32 s4, $0x1;
	s4 =	sadd.s32 s21, s2  }
0x9d: {  	[timem:s6], [sflag:s22] =	dma.local [hbm:s4], s20  }
0x9e: {  	_ =	swait.ge [sflag:s22], s20  }
0x9f: {  	s3 =	ssub.s32 $0x0, s20;
	[sflag:s22] =	ssyncset.done $0x0  }
0xa0: {  	[sflag:s22] =	ssyncadd.s32 s3;
	_ =	sdelay $0x1  }
0xa1: {  	s23 =	simm.s32 $0x1B8B  }
0xa2: {  	_ =	swait.ge [sflag:s23], $0x1  }
0xa3: {  	[sflag:s23] =	ssyncset.done $0x0  }
0xa4: {  	s25 =	simm.s32 $0x1B8E;
	s24 =	sld [smem:$0x3FFE];
	[sflag:s23] =	ssyncadd.s32 $0xFFFFFFFF  }
0xa5: {  	s26 =	simm.s32 $execute0_lowered;
	[smem:$0x3FD2] =	sst s25  }
0xa6: {  	s4 =	sshll.u32 s26, $0x1;
	_ =	strace $0x80000049;
	[dreg:$0x1] =	wrdreg $0xFFFFFFFF  }
0xa7: {  	s28 =	simm.s32 $_size_execute0_lowered;
	s2 =	sadd.s32 s2, s4;
	[dreg:$0x0] =	wrdreg $0x0  }
0xa8: {  	s4 =	sshll.u32 s28, $0x1;
	[dreg:$0x2] =	wrdreg s2  }
0xa9: {  	[dreg:$0x3] =	wrdreg s4  }
0xaa: {  	[dreg:$0x4] =	wrdreg $0xC0  }
0xab: {  	_ =	task [dreg:s6], $0x5FFFF  }
0xac: {  	[dreg:$0x1] =	wrdreg $0xFFFFFFFF  }
0xad: {  	[dreg:$0x0] =	wrdreg $0x60  }
0xae: {  	[dreg:$0x2] =	wrdreg s24  }
0xaf: {  	[dreg:$0x3] =	wrdreg $0x90000  }
0xb0: {  	[dreg:$0x4] =	wrdreg $0x9  }
0xb1: {  	_ =	task.clear_ibuf [dreg:s6], $0x5FFFF;
	_ =	strace $0x90000049  }
0xb2: {  	s29 =	simm.s32 $0x9;
	_ =	strace $0x8000004B  }
0xb3: {  	_ =	swait.ge [sflag:s29], $0x1  }
0xb4: {  	[sflag:s29] =	ssyncadd.s32 $0xFFFFFFFF  }
0xb5: {  	_ =	strace $0x9000004B  }
0xb6: {  	_ =	sfence  }
0xb7: {  	s30 =	sld [smem:$0x0];
	_ =	sdelay $0x2  }
0xb8: {  	s31 =	sshll.u32 s1, $0xD;
	s1 =	sshrl.u32 s1, $0x2  }
0xb9: {  	s3 =	sand.u32 $0x4000, s31;
	s1 =	sadd.s32 s1, s30  }
0xba: {  	s0 =	sor.u32 s3, s0;
	s1 =	sshll.u32 s1, $0x11  }
0xbb: {  	s0 =	sor.u32 s1, s0  }
0xbc: {  	s0 =	sadd.s32 $0x8F2B, s0  }
0xbd: {  	[sflag:s0] =	ssyncadd.remote.s32 $0x1  }
0xbe: {  	_ =	sfence.sel $0xFFFF  }
0xbf: {  	[dreg:$0x0] =	wrdreg $0xFFFFFFFF;
	(pc) =	sbr.abs _section_cstart, $3  }
0xc0: {  	[dreg:$0x1] =	wrdreg $0xFFFFFFFF  }
0xc1: {  	_ =	task.clear_ibuf [dreg:s6], $0x2FFFF;
	_ =	strace $0x9FFFFFFF  }
0xc2: {  	(tm) =	ssettm $0x7FFFFFFF  }
0xc3: {  	_ =	shalt  }
tec
execute0_lowered:
.L_overlay_start_1:
0x0: {  	(tag) =	ssettag $0x1  }
0x1: {  	s7 =	rddreg [dreg:$0x0]  }
0x2: {  	s0 =	srdreg.scid;
	s2 =	rddreg [dreg:$0x1]  }
0x3: {  	s3 =	simm.s32 $0x0;
	s14 =	simm.s32 $0x80;
	s15 =	simm.s32 $0x5000  }
0x4: {  	s16 =	simm.s32 $0x1;
	s6 =	sand.u32 $0x1, s0;
	s0 =	stileid.u32  }
0x5: {  	s17 =	simm.s32 $0x0;
	[smem:$0x7FF] =	sst s3;
	s8 =	smul.u32 $0x140000, s6  }
0x6: {  	s4 =	sadd.s32 $0x1CC00, s7;
	s1 =	sshll.u32 s6, $0x4;
	s9 =	smul.u32 $0x14000, s0  }
0x7: {  	s28 =	smul.u32 $0x50000, s0;
	s6 =	ssub.s32 $0x2, s6;
	s1 =	sor.u32 s0, s1  }
0x8: {  	s31 =	sshll.u32 s0, $0x6;
	s29 =	sshrl.u32 s6, $0x1;
	s5 =	smul.u32 $0x500, s1  }
0x9: {  	s1 =	rddreg [dreg:$0x2];
	_ =	strace $0x8000004A;
	s8 =	sadd.s32 s9, s8  }
0xa: {  	s30 =	sshrl.u32 s28, $0x2;
	s12 =	ssub.s32 s6, s29;
	s6 =	sor.u32 $0x1C02, s31  }
0xb: {  	s8 =	sshrl.u32 s8, $0x3;
	s13 =	sadd.s32 s30, s2;
	s10 =	sadd.s32 s5, s7  }
0xc: {  	s5 =	sadd.s32 $0x1A400, s7;
	s11 =	sadd.s32 s8, s7;
	s7 =	sadd.s32 $0x6400, s10  }
0xd: {  	s8 =	sadd.s32 $0x10400, s10;
	s9 =	sadd.s32 $0x43E00, s11;
	s10 =	smax.u32 s12, $0x1  }
0xe: {  	s11 =	sshrl.u32 s13, $0x3;
	s12 =	simm.s32 $0x2;
	s13 =	simm.s32 $0x2800  }
.LBB2_1:
0xf: {  	[spmem:s11], [sflag:s6] =	dma.local [hbm:s5], $0x2800  }
0x10: {  	_ =	swait.ge [sflag:s12], $0x2800  }
0x11: {  	[sflag:s12] =	ssyncset.done $0x0  }
0x12: {  	[sflag:s12] =	ssyncadd.s32 $0xFFFFD800  }
0x13: {  	[tilespmem:s3], [sflag:$0x2] =	stream.linear.gather [hbm4b:s7+s3], $0x2780, $0x38;
	[tilespmem:$0x1D000] =	vst v63  }
0x14: {  	_ =	swait.ge [sflag:s12], $0x2780  }
0x15: {  	[sflag:s12] =	ssyncset.done $0x0  }
0x16: {  	[sflag:s12] =	ssyncadd.s32 $0xFFFFD880  }
0x17: {  	[tilespmem:s13], [sflag:$0x2] =	stream.linear.gather [hbm4b:s8+s3], $0x2780, $0x38;
	[tilespmem:$0x1D000] =	vst v63  }
0x18: {  	_ =	swait.ge [sflag:s12], $0x2780  }
0x19: {  	[sflag:s12] =	ssyncset.done $0x0  }
0x1a: {  	[sflag:s12] =	ssyncadd.s32 $0xFFFFD880  }
0x1b: {  	s18 =	simm.s32 $0x0;
	[bflag:$0x0] =	sbarrier.arrive $0xFFFF  }
0x1c: {  	[tilespmem:s15], [sflag:$0x1] =	stream.indirect.gather [hbm4b:s4+s14], $0x80, s18, s14, $0xb8;
	[tilespmem:$0x1D000] =	vst v63  }
0x1d: {  	_ =	swait.ge [sflag:s16], $0x4000  }
0x1e: {  	[sflag:s16] =	ssyncset.done $0x0  }
0x1f: {  	s31 =	simm.s32 $0x2800;
	[sflag:s16] =	ssyncadd.s32 $0xFFFFC000  }
0x20: {  	[spmem:s2] =	stream.indirect.scatter.add.f32 [tilespmem:s15], [sflag:$0x2], $0x80, s31, s14, $0xb8;
	[tilespmem:$0x1D000] =	vst v63  }
0x21: {  	_ =	swait.ge [sflag:s12], $0x4000  }
0x22: {  	s19 =	simm.s32 $0x400;
	s18 =	simm.s32 $0x200;
	[sflag:s12] =	ssyncset.done $0x0  }
.LBB2_2:
0x23: {  	s20 =	sshra.s32 s18, $0x2  }
0x24: {  	[sflag:s12] =	ssyncadd.s32 $0xFFFFC000;
	s18 =	smov.u32 s19;
	s21 =	sadd.s32 $0x200, s19  }
0x25: {  	[tilespmem:s15], [sflag:$0x1] =	stream.indirect.gather [hbm4b:s4+s14], $0x80, s20, s14, $0xb8;
	[tilespmem:$0x1D000] =	vst v63  }
0x26: {  	p0 =	sne.s32 s19, $0x9C00;
	_ =	swait.ge [sflag:s16], $0x4000  }
.Ltmp0:
0x27: {  	[sflag:s16] =	ssyncset.done $0x0;
	(pc) =	sbr.rel @p0 .LBB2_2-.Ltmp0, $4  }
0x28: {  	s19 =	sadd.s32 $0x2800, s20;
	[sflag:s16] =	ssyncadd.s32 $0xFFFFC000  }
0x29: {  	[spmem:s2] =	stream.indirect.scatter.add.f32 [tilespmem:s15], [sflag:$0x2], $0x80, s19, s14, $0xb8;
	[tilespmem:$0x1D000] =	vst v63  }
0x2a: {  	_ =	swait.ge [sflag:s12], $0x4000  }
0x2b: {  	s19 =	smov.u32 s21;
	[sflag:s12] =	ssyncset.done $0x0  }
0x2c: {  	s18 =	sshra.s32 s18, $0x2;
	[sflag:s12] =	ssyncadd.s32 $0xFFFFC000  }
0x2d: {  	[tilespmem:s15], [sflag:$0x1] =	stream.indirect.gather [hbm4b:s4+s14], $0x80, s18, s14, $0xb8;
	[tilespmem:$0x1D000] =	vst v63  }
0x2e: {  	_ =	swait.ge [sflag:s16], $0x4000  }
0x2f: {  	[sflag:s16] =	ssyncset.done $0x0  }
0x30: {  	s18 =	sadd.s32 $0x2800, s18;
	[sflag:s16] =	ssyncadd.s32 $0xFFFFC000  }
0x31: {  	[spmem:s2] =	stream.indirect.scatter.add.f32 [tilespmem:s15], [sflag:$0x2], $0x80, s18, s14, $0xb8;
	[tilespmem:$0x1D000] =	vst v63  }
0x32: {  	_ =	swait.ge [sflag:s12], $0x4000  }
0x33: {  	s17 =	sadd.s32 $0x1, s17;
	[sflag:s12] =	ssyncset.done $0x0  }
0x34: {  	p0 =	sne.s32 s17, s10;
	[sflag:s12] =	ssyncadd.s32 $0xFFFFC000  }
.Ltmp1:
0x35: {  	[bflag:$0x0] =	sbarrier.arrive $0xFFFF;
	(pc) =	sbr.rel @p0 .LBB2_1-.Ltmp1, $4  }
0x36: {  	[hbm:s9], [sflag:s6] =	dma.local [spmem:s11], $0x2800  }
0x37: {  	_ =	swait.ge [sflag:s12], $0x2800  }
0x38: {  	[sflag:s12] =	ssyncset.done $0x0  }
0x39: {  	[sflag:s12] =	ssyncadd.s32 $0xFFFFD800  }
0x3a: {  	_ =	sfence.sel $0x180000  }
0x3b: {  	[bflag:$0x0] =	sbarrier.arrive $0xFFFF  }
0x3c: {  	p0 =	sne.s32 s0, $0x0;
	_ =	strace $0x9000004A  }
0x3d: {  	s0 =	sadd.s32 @!p0 $0x100000, s1;
	[bflag:$0x2] =	sbarrier.arrive $0xFFFF  }
0x3e: {  	[sflag:s0] =	ssyncadd.tile.s32 @!p0 $0x1;
	_ =	shalt  }
.Lfunc_end2:
_tile_overlayer_lowered:
.L_overlay_start_2:
0x3f: {  	(tag) =	ssettag $0x2  }
0x40: {  	s0 =	rddreg [dreg:$0x0];
	s2 =	stileid.u32  }
0x41: {  	s1 =	rddreg [dreg:$0x1];
	p0 =	sne.s32 s2, $0x0  }
0x42: {  	s3 =	rddreg [dreg:$0x2];
	[bflag:$0x3] =	sbarrier.arrive $0xFFFF;
	s2 =	simm.s32 @!p0 $0x1C02  }
0x43: {  	[timem:s3], [sflag:s2] =	dma.local @!p0 [hbm:s0], s1  }
0x44: {  	s0 =	simm.s32 @!p0 $0x2  }
0x45: {  	_ =	swait.ge @!p0 [sflag:s0], s1  }
0x46: {  	s1 =	ssub.s32 @!p0 $0x0, s1;
	[sflag:s0] =	ssyncset.done @!p0 $0x0  }
0x47: {  	[sflag:s0] =	ssyncadd.s32 @!p0 s1  }
0x48: {  	[bflag:$0x3] =	sbarrier.arrive $0xFFFF  }
0x49: {  	_ =	shalt  }

// kernel: kernel.18.cloned.1.call-start
scs
__scs_entry_jumppad:
0x0: {  	(pc) =	sbr.rel $0x88, $3  }
0x1: {  	(tag) =	ssettag $0x0;
	lr =	simm.s32 $0x1  }
0x2: {  	[smem:$0x3F85] =	sst lr;
	_ =	strace $0xD0000000  }
0x3: {  	_ = 	snop  }
0x4: {  	_ = 	snop  }
0x5: {  	_ = 	snop  }
0x6: {  	_ = 	snop  }
0x7: {  	_ = 	snop  }
__scs_overlays_trampoline_lowered:
0x8: {  	[smem:$0x3F94] =	sst s0  }
0x9: {  	[smem:$0x3F95] =	sst s1  }
0xa: {  	[smem:$0x3F96] =	sst s2  }
0xb: {  	[smem:$0x3F97] =	sst s3  }
0xc: {  	[smem:$0x3F98] =	sst s4  }
0xd: {  	[smem:$0x3F99] =	sst s5  }
0xe: {  	[smem:$0x3F9A] =	sst s6  }
0xf: {  	[smem:$0x3F9B] =	sst s7  }
0x10: {  	[smem:$0x3F9C] =	sst s8  }
0x11: {  	[smem:$0x3F9D] =	sst s9;
	s0 =	simm.s32 @!p0 $0x0  }
0x12: {  	s1 =	sld [smem:$0x3F83];
	s0 =	simm.s32 @p0 $0x1  }
0x13: {  	[smem:$0x3F9E] =	sst s0;
	s0 =	simm.s32 @!p1 $0x0  }
0x14: {  	s2 =	sld [smem:$0x3F82];
	s0 =	simm.s32 @p1 $0x1  }
0x15: {  	[smem:$0x3F9F] =	sst s0;
	s0 =	simm.s32 @!p2 $0x0  }
0x16: {  	s3 =	sld [smem:$0x3FDB];
	s0 =	simm.s32 @p2 $0x1  }
0x17: {  	s4 =	simm.s32 $0x1BF5;
	[smem:$0x3FA1] =	sst s0  }
0x18: {  	s0 =	sld [smem:$0x3F84];
	_ =	swait.ge [sflag:s4], $0x0  }
0x19: {  	s7 =	sld [smem:$0x3F85]  }
0x1a: {  	s8 =	sadd.s32 $0xFFFFE003, lr  }
0x1b: {  	s9 =	sadd.s32 $0xFFFFFEF7, lr;
	s5 =	simm.s32 $0xFFFFFFFF;
	p2 =	slt.u32 s8, $0xFFFFF086  }
0x1c: {  	p1 =	slt.u32 s9, $0xF7A;
	s5 =	simm.s32 @!p2 $0x0  }
0x1d: {  	s5 =	simm.s32 @p1 $0x1;
	p0 =	seq.s32 s7, s2  }
0x1e: {  	s7 =	smul.u32 @!p0 $0xF7A, s2;
	p2 =	seq.s32 @!p0 s5, $0x0  }
0x1f: {  	s9 =	smul.u32 $0xF7A, s1;
	s8 =	simm.s32 @!p0 $0x1BF5;
	p2 =	por !p2, p0  }
0x20: {  	[sflag:s8] =	ssyncset.s32 @!p0 $0xFFFFF086;
	s6 =	sadd.s32 @!p0 s3, s7;
	s7 =	simm.s32 @!p0 $0x108  }
0x21: {  	s3 =	sadd.s32 s3, s9;
	s6 =	sadd.s32 @!p0 $0x88, s6;
	s7 =	simm.s32 @p2 $0x1082  }
0x22: {  	[simem:s7], [sflag:s8] =	dma.local @!p0 [hbm:s6], $0xF7A  }
0x23: {  	s9 =	sor.u32 $0xD0000000, s2;
	s6 =	simm.s32 $0x108;
	_ =	swait.ge @!p0 [sflag:s8], $0x0  }
0x24: {  	s3 =	sadd.s32 $0x88, s3;
	s6 =	simm.s32 @!p1 $0x1082;
	[sflag:s4] =	ssyncset.s32 $0xFFFFF086  }
0x25: {  	[simem:s6], [sflag:s4] =	dma.local [hbm:s3], $0xF7A  }
0x26: {  	[smem:$0x3F85] =	sst s1;
	(tag) =	ssettag s2;
	_ =	strace s9  }
0x27: {  	s1 =	sld [smem:$0x3F95]  }
0x28: {  	s2 =	sld [smem:$0x3F96]  }
0x29: {  	s4 =	sld [smem:$0x3F98]  }
0x2a: {  	p0 =	seq.s32 s5, $0x0;
	s5 =	sld [smem:$0x3F99]  }
0x2b: {  	s6 =	sld [smem:$0x3F9A]  }
0x2c: {  	s7 =	sld [smem:$0x3F9B]  }
0x2d: {  	s3 =	simm.s32 $0x108;
	s8 =	sld [smem:$0x3F9C]  }
0x2e: {  	s3 =	simm.s32 @!p0 $0x1082;
	s9 =	sld [smem:$0x3F9D]  }
0x2f: {  	lr =	sadd.s32 s0, s3;
	s0 =	sld [smem:$0x3F94]  }
0x30: {  	s3 =	sld [smem:$0x3F97]  }
0x31: {  	[smem:$0x3FA0] =	sst s10  }
0x32: {  	s10 =	sld [smem:$0x3F9E];
	_ =	sdelay $0x3  }
0x33: {  	p0 =	seq.s32 s10, $0x1;
	s10 =	sld [smem:$0x3FA0];
	_ =	sdelay $0x3  }
0x34: {  	[smem:$0x3FA0] =	sst s10  }
0x35: {  	s10 =	sld [smem:$0x3F9F];
	_ =	sdelay $0x3  }
0x36: {  	p1 =	seq.s32 s10, $0x1;
	s10 =	sld [smem:$0x3FA0];
	_ =	sdelay $0x3  }
0x37: {  	[smem:$0x3FA0] =	sst s10  }
0x38: {  	s10 =	sld [smem:$0x3FA1]  }
0x39: {  	_ = 	snop;
	(pc) =	sbr.ind lr, $3  }
0x3a: {  	_ = 	snop  }
0x3b: {  	_ = 	snop  }
0x3c: {  	p2 =	seq.s32 s10, $0x1;
	s10 =	sld [smem:$0x3FA0]  }
0x3d: {  	_ =	shalt  }
0x3e: {  	_ =	shalt  }
0x3f: {  	_ =	shalt  }
0x40: {  	_ =	shalt  }
0x41: {  	_ =	shalt  }
0x42: {  	_ =	shalt  }
0x43: {  	_ =	shalt  }
0x44: {  	_ =	shalt  }
0x45: {  	_ =	shalt  }
0x46: {  	_ =	shalt  }
0x47: {  	_ =	shalt  }
0x48: {  	_ =	shalt  }
0x49: {  	_ =	shalt  }
0x4a: {  	_ =	shalt  }
0x4b: {  	_ =	shalt  }
0x4c: {  	_ =	shalt  }
0x4d: {  	_ =	shalt  }
0x4e: {  	_ =	shalt  }
0x4f: {  	_ =	shalt  }
0x50: {  	_ =	shalt  }
0x51: {  	_ =	shalt  }
0x52: {  	_ =	shalt  }
0x53: {  	_ =	shalt  }
0x54: {  	_ =	shalt  }
0x55: {  	_ =	shalt  }
0x56: {  	_ =	shalt  }
0x57: {  	_ =	shalt  }
0x58: {  	_ =	shalt  }
0x59: {  	_ =	shalt  }
0x5a: {  	_ =	shalt  }
0x5b: {  	_ =	shalt  }
0x5c: {  	_ =	shalt  }
0x5d: {  	_ =	shalt  }
0x5e: {  	_ =	shalt  }
0x5f: {  	_ =	shalt  }
0x60: {  	_ =	shalt  }
0x61: {  	_ =	shalt  }
0x62: {  	_ =	shalt  }
0x63: {  	_ =	shalt  }
0x64: {  	_ =	shalt  }
0x65: {  	_ =	shalt  }
0x66: {  	_ =	shalt  }
0x67: {  	_ =	shalt  }
0x68: {  	_ =	shalt  }
0x69: {  	_ =	shalt  }
0x6a: {  	_ =	shalt  }
0x6b: {  	_ =	shalt  }
0x6c: {  	_ =	shalt  }
0x6d: {  	_ =	shalt  }
0x6e: {  	_ =	shalt  }
0x6f: {  	_ =	shalt  }
0x70: {  	_ =	shalt  }
0x71: {  	_ =	shalt  }
0x72: {  	_ =	shalt  }
0x73: {  	_ =	shalt  }
0x74: {  	_ =	shalt  }
0x75: {  	_ =	shalt  }
0x76: {  	_ =	shalt  }
0x77: {  	_ =	shalt  }
0x78: {  	_ =	shalt  }
0x79: {  	_ =	shalt  }
0x7a: {  	_ =	shalt  }
0x7b: {  	_ =	shalt  }
0x7c: {  	_ =	shalt  }
0x7d: {  	_ =	shalt  }
0x7e: {  	_ =	shalt  }
0x7f: {  	_ =	shalt  }
0x80: {  	_ =	shalt  }
0x81: {  	_ =	shalt  }
0x82: {  	_ =	shalt  }
0x83: {  	_ =	shalt  }
0x84: {  	_ =	shalt  }
0x85: {  	_ =	shalt  }
0x86: {  	_ =	shalt  }
0x87: {  	_ =	shalt  }
.Lfunc_end0:
.L_simem_size_0:
called_computation.2_lowered:
.L_overlay_start_0:
0x88: {  	s2 =	sld [smem:$0x3FD9]  }
0x89: {  	s3 =	sld [smem:$0x3FFE];
	_ =	sdelay $0x1  }
0x8a: {  	s1 =	srdreg.scid  }
0x8b: {  	s0 =	sand.u32 $0x1, s1  }
0x8c: {  	s16 =	sshll.u32 s0, $0xA;
	s2 =	sadd.s32 s3, s2  }
0x8d: {  	s2 =	sadd.s32 s2, s16  }
0x8e: {  	[smem:$0x3FAC] =	sst s2  }
0x8f: {  	_ = 	snop  }
0x90: {  	(tm) =	ssettm $0x1  }
0x91: {  	s17 =	sld [smem:$0x3FFB];
	_ =	sdelay $0x3  }
0x92: {  	_ =	strace s17  }
0x93: {  	s2 =	sld [smem:$0x3FFC];
	_ =	sdelay $0x3  }
0x94: {  	_ =	strace s2  }
0x95: {  	s2 =	sld [smem:$0x3FFD];
	_ =	sdelay $0x3  }
0x96: {  	_ =	strace s2  }
0x97: {  	_ =	strace $0x8FFFFFFF  }
0x98: {  	s18 =	sld [smem:$0x3FDB];
	_ =	sdelay $0x1  }
0x99: {  	s19 =	simm.s32 $_scs_section_size  }
0x9a: {  	s4 =	simm.s32 $_size__tile_overlayer_lowered;
	s5 =	simm.s32 $_tile_overlayer_lowered  }
0x9b: {  	s22 =	simm.s32 $0x1BFF;
	s21 =	sshll.u32 s5, $0x1;
	s2 =	sadd.s32 s19, s18  }
0x9c: {  	s6 =	simm.s32 $0x0;
	s20 =	sshll.u32 s4, $0x1;
	s4 =	sadd.s32 s21, s2  }
0x9d: {  	[timem:s6], [sflag:s22] =	dma.local [hbm:s4], s20  }
0x9e: {  	_ =	swait.ge [sflag:s22], s20  }
0x9f: {  	s3 =	ssub.s32 $0x0, s20;
	[sflag:s22] =	ssyncset.done $0x0  }
0xa0: {  	[sflag:s22] =	ssyncadd.s32 s3;
	_ =	sdelay $0x1  }
0xa1: {  	s23 =	simm.s32 $0x1B8B  }
0xa2: {  	_ =	swait.ge [sflag:s23], $0x1  }
0xa3: {  	[sflag:s23] =	ssyncset.done $0x0  }
0xa4: {  	s25 =	simm.s32 $0x1B8E;
	s24 =	sld [smem:$0x3FFE];
	[sflag:s23] =	ssyncadd.s32 $0xFFFFFFFF  }
0xa5: {  	s26 =	simm.s32 $execute0_lowered;
	[smem:$0x3FD2] =	sst s25  }
0xa6: {  	s4 =	sshll.u32 s26, $0x1;
	_ =	strace $0x8000004C;
	[dreg:$0x1] =	wrdreg $0xFFFFFFFF  }
0xa7: {  	s28 =	simm.s32 $_size_execute0_lowered;
	s2 =	sadd.s32 s2, s4;
	[dreg:$0x0] =	wrdreg $0x0  }
0xa8: {  	s4 =	sshll.u32 s28, $0x1;
	[dreg:$0x2] =	wrdreg s2  }
0xa9: {  	[dreg:$0x3] =	wrdreg s4  }
0xaa: {  	[dreg:$0x4] =	wrdreg $0xC0  }
0xab: {  	_ =	task [dreg:s6], $0x5FFFF  }
0xac: {  	[dreg:$0x1] =	wrdreg $0xFFFFFFFF  }
0xad: {  	[dreg:$0x0] =	wrdreg $0x60  }
0xae: {  	[dreg:$0x2] =	wrdreg s24  }
0xaf: {  	[dreg:$0x3] =	wrdreg $0x90000  }
0xb0: {  	[dreg:$0x4] =	wrdreg $0x9  }
0xb1: {  	_ =	task.clear_ibuf [dreg:s6], $0x5FFFF;
	_ =	strace $0x9000004C  }
0xb2: {  	s29 =	simm.s32 $0x9;
	_ =	strace $0x8000004E  }
0xb3: {  	_ =	swait.ge [sflag:s29], $0x1  }
0xb4: {  	[sflag:s29] =	ssyncadd.s32 $0xFFFFFFFF  }
0xb5: {  	_ =	strace $0x9000004E  }
0xb6: {  	_ =	sfence  }
0xb7: {  	s30 =	sld [smem:$0x0];
	_ =	sdelay $0x2  }
0xb8: {  	s31 =	sshll.u32 s1, $0xD;
	s1 =	sshrl.u32 s1, $0x2  }
0xb9: {  	s3 =	sand.u32 $0x4000, s31;
	s1 =	sadd.s32 s1, s30  }
0xba: {  	s0 =	sor.u32 s3, s0;
	s1 =	sshll.u32 s1, $0x11  }
0xbb: {  	s0 =	sor.u32 s1, s0  }
0xbc: {  	s0 =	sadd.s32 $0x8F2B, s0  }
0xbd: {  	[sflag:s0] =	ssyncadd.remote.s32 $0x1  }
0xbe: {  	_ =	sfence.sel $0xFFFF  }
0xbf: {  	[dreg:$0x0] =	wrdreg $0xFFFFFFFF;
	(pc) =	sbr.abs _section_cstart, $3  }
0xc0: {  	[dreg:$0x1] =	wrdreg $0xFFFFFFFF  }
0xc1: {  	_ =	task.clear_ibuf [dreg:s6], $0x2FFFF;
	_ =	strace $0x9FFFFFFF  }
0xc2: {  	(tm) =	ssettm $0x7FFFFFFF  }
0xc3: {  	_ =	shalt  }
tec
execute0_lowered:
.L_overlay_start_1:
0x0: {  	(tag) =	ssettag $0x1  }
0x1: {  	s7 =	rddreg [dreg:$0x0]  }
0x2: {  	s0 =	srdreg.scid;
	s2 =	rddreg [dreg:$0x1]  }
0x3: {  	s3 =	simm.s32 $0x0;
	s14 =	simm.s32 $0x80;
	s15 =	simm.s32 $0x5000  }
0x4: {  	s16 =	simm.s32 $0x1;
	s6 =	sand.u32 $0x1, s0;
	s0 =	stileid.u32  }
0x5: {  	s17 =	simm.s32 $0x0;
	[smem:$0x7FF] =	sst s3;
	s8 =	smul.u32 $0x140000, s6  }
0x6: {  	s4 =	sadd.s32 $0x1CC00, s7;
	s1 =	sshll.u32 s6, $0x4;
	s9 =	smul.u32 $0x14000, s0  }
0x7: {  	s28 =	smul.u32 $0x50000, s0;
	s6 =	ssub.s32 $0x2, s6;
	s1 =	sor.u32 s0, s1  }
0x8: {  	s31 =	sshll.u32 s0, $0x6;
	s29 =	sshrl.u32 s6, $0x1;
	s5 =	smul.u32 $0x500, s1  }
0x9: {  	s1 =	rddreg [dreg:$0x2];
	_ =	strace $0x8000004D;
	s8 =	sadd.s32 s9, s8  }
0xa: {  	s30 =	sshrl.u32 s28, $0x2;
	s12 =	ssub.s32 s6, s29;
	s6 =	sor.u32 $0x1C02, s31  }
0xb: {  	s8 =	sshrl.u32 s8, $0x3;
	s13 =	sadd.s32 s30, s2;
	s10 =	sadd.s32 s5, s7  }
0xc: {  	s5 =	sadd.s32 $0x1A400, s7;
	s11 =	sadd.s32 s8, s7;
	s7 =	sadd.s32 $0x6400, s10  }
0xd: {  	s8 =	sadd.s32 $0x10400, s10;
	s9 =	sadd.s32 $0x43E00, s11;
	s10 =	smax.u32 s12, $0x1  }
0xe: {  	s11 =	sshrl.u32 s13, $0x3;
	s12 =	simm.s32 $0x2;
	s13 =	simm.s32 $0x2800  }
.LBB2_1:
0xf: {  	[spmem:s11], [sflag:s6] =	dma.local [hbm:s5], $0x2800  }
0x10: {  	_ =	swait.ge [sflag:s12], $0x2800  }
0x11: {  	[sflag:s12] =	ssyncset.done $0x0  }
0x12: {  	[sflag:s12] =	ssyncadd.s32 $0xFFFFD800  }
0x13: {  	[tilespmem:s3], [sflag:$0x2] =	stream.linear.gather [hbm4b:s7+s3], $0x2780, $0x38;
	[tilespmem:$0x1D000] =	vst v63  }
0x14: {  	_ =	swait.ge [sflag:s12], $0x2780  }
0x15: {  	[sflag:s12] =	ssyncset.done $0x0  }
0x16: {  	[sflag:s12] =	ssyncadd.s32 $0xFFFFD880  }
0x17: {  	[tilespmem:s13], [sflag:$0x2] =	stream.linear.gather [hbm4b:s8+s3], $0x2780, $0x38;
	[tilespmem:$0x1D000] =	vst v63  }
0x18: {  	_ =	swait.ge [sflag:s12], $0x2780  }
0x19: {  	[sflag:s12] =	ssyncset.done $0x0  }
0x1a: {  	[sflag:s12] =	ssyncadd.s32 $0xFFFFD880  }
0x1b: {  	s18 =	simm.s32 $0x0;
	[bflag:$0x0] =	sbarrier.arrive $0xFFFF  }
0x1c: {  	[tilespmem:s15], [sflag:$0x1] =	stream.indirect.gather [hbm4b:s4+s14], $0x80, s18, s14, $0xb8;
	[tilespmem:$0x1D000] =	vst v63  }
0x1d: {  	_ =	swait.ge [sflag:s16], $0x4000  }
0x1e: {  	[sflag:s16] =	ssyncset.done $0x0  }
0x1f: {  	s31 =	simm.s32 $0x2800;
	[sflag:s16] =	ssyncadd.s32 $0xFFFFC000  }
0x20: {  	[spmem:s2] =	stream.indirect.scatter.add.f32 [tilespmem:s15], [sflag:$0x2], $0x80, s31, s14, $0xb8;
	[tilespmem:$0x1D000] =	vst v63  }
0x21: {  	_ =	swait.ge [sflag:s12], $0x4000  }
0x22: {  	s19 =	simm.s32 $0x400;
	s18 =	simm.s32 $0x200;
	[sflag:s12] =	ssyncset.done $0x0  }
.LBB2_2:
0x23: {  	s20 =	sshra.s32 s18, $0x2  }
0x24: {  	[sflag:s12] =	ssyncadd.s32 $0xFFFFC000;
	s18 =	smov.u32 s19;
	s21 =	sadd.s32 $0x200, s19  }
0x25: {  	[tilespmem:s15], [sflag:$0x1] =	stream.indirect.gather [hbm4b:s4+s14], $0x80, s20, s14, $0xb8;
	[tilespmem:$0x1D000] =	vst v63  }
0x26: {  	p0 =	sne.s32 s19, $0x9C00;
	_ =	swait.ge [sflag:s16], $0x4000  }
.Ltmp0:
0x27: {  	[sflag:s16] =	ssyncset.done $0x0;
	(pc) =	sbr.rel @p0 .LBB2_2-.Ltmp0, $4  }
0x28: {  	s19 =	sadd.s32 $0x2800, s20;
	[sflag:s16] =	ssyncadd.s32 $0xFFFFC000  }
0x29: {  	[spmem:s2] =	stream.indirect.scatter.add.f32 [tilespmem:s15], [sflag:$0x2], $0x80, s19, s14, $0xb8;
	[tilespmem:$0x1D000] =	vst v63  }
0x2a: {  	_ =	swait.ge [sflag:s12], $0x4000  }
0x2b: {  	s19 =	smov.u32 s21;
	[sflag:s12] =	ssyncset.done $0x0  }
0x2c: {  	s18 =	sshra.s32 s18, $0x2;
	[sflag:s12] =	ssyncadd.s32 $0xFFFFC000  }
0x2d: {  	[tilespmem:s15], [sflag:$0x1] =	stream.indirect.gather [hbm4b:s4+s14], $0x80, s18, s14, $0xb8;
	[tilespmem:$0x1D000] =	vst v63  }
0x2e: {  	_ =	swait.ge [sflag:s16], $0x4000  }
0x2f: {  	[sflag:s16] =	ssyncset.done $0x0  }
0x30: {  	s18 =	sadd.s32 $0x2800, s18;
	[sflag:s16] =	ssyncadd.s32 $0xFFFFC000  }
0x31: {  	[spmem:s2] =	stream.indirect.scatter.add.f32 [tilespmem:s15], [sflag:$0x2], $0x80, s18, s14, $0xb8;
	[tilespmem:$0x1D000] =	vst v63  }
0x32: {  	_ =	swait.ge [sflag:s12], $0x4000  }
0x33: {  	s17 =	sadd.s32 $0x1, s17;
	[sflag:s12] =	ssyncset.done $0x0  }
0x34: {  	p0 =	sne.s32 s17, s10;
	[sflag:s12] =	ssyncadd.s32 $0xFFFFC000  }
.Ltmp1:
0x35: {  	[bflag:$0x0] =	sbarrier.arrive $0xFFFF;
	(pc) =	sbr.rel @p0 .LBB2_1-.Ltmp1, $4  }
0x36: {  	[hbm:s9], [sflag:s6] =	dma.local [spmem:s11], $0x2800  }
0x37: {  	_ =	swait.ge [sflag:s12], $0x2800  }
0x38: {  	[sflag:s12] =	ssyncset.done $0x0  }
0x39: {  	[sflag:s12] =	ssyncadd.s32 $0xFFFFD800  }
0x3a: {  	_ =	sfence.sel $0x180000  }
0x3b: {  	[bflag:$0x0] =	sbarrier.arrive $0xFFFF  }
0x3c: {  	p0 =	sne.s32 s0, $0x0;
	_ =	strace $0x9000004D  }
0x3d: {  	s0 =	sadd.s32 @!p0 $0x100000, s1;
	[bflag:$0x2] =	sbarrier.arrive $0xFFFF  }
0x3e: {  	[sflag:s0] =	ssyncadd.tile.s32 @!p0 $0x1;
	_ =	shalt  }
.Lfunc_end2:
_tile_overlayer_lowered:
.L_overlay_start_2:
0x3f: {  	(tag) =	ssettag $0x2  }
0x40: {  	s0 =	rddreg [dreg:$0x0];
	s2 =	stileid.u32  }
0x41: {  	s1 =	rddreg [dreg:$0x1];
	p0 =	sne.s32 s2, $0x0  }
0x42: {  	s3 =	rddreg [dreg:$0x2];
	[bflag:$0x3] =	sbarrier.arrive $0xFFFF;
	s2 =	simm.s32 @!p0 $0x1C02  }
0x43: {  	[timem:s3], [sflag:s2] =	dma.local @!p0 [hbm:s0], s1  }
0x44: {  	s0 =	simm.s32 @!p0 $0x2  }
0x45: {  	_ =	swait.ge @!p0 [sflag:s0], s1  }
0x46: {  	s1 =	ssub.s32 @!p0 $0x0, s1;
	[sflag:s0] =	ssyncset.done @!p0 $0x0  }
0x47: {  	[sflag:s0] =	ssyncadd.s32 @!p0 s1  }
0x48: {  	[bflag:$0x3] =	sbarrier.arrive $0xFFFF  }
0x49: {  	_ =	shalt  }

</sc_bundles>
